<compile_context>
chip_gen: v7x
topology: tpu7x:2x2x1
jax: 0.10.2.dev20260603
libtpu: 0.0.44.dev20260713+nightly
codegen_flags: <defaults>
</compile_context>

<pallas_src>
import dataclasses
import functools

import jax
import jax.numpy as jnp
from jax import lax
from jax.experimental import pallas as pl
from jax.experimental.pallas import tpu as pltpu
from jax.experimental.pallas import tpu_sc as plsc

N = 10000
E = 320000
NF = 128
NCLS = 40

NUM_SC = 2
NUM_SUB = 16
NW = NUM_SC * NUM_SUB

NPAD = 10112
CPAD = 48
BLK = 128
EPW = E // NW
EBF = EPW // BLK
TAIL = EPW - EBF * BLK
RPS = NPAD // NUM_SUB

_mesh = plsc.VectorSubcoreMesh(
    core_axis_name="c", subcore_axis_name="s",
    num_cores=NUM_SC, num_subcores=NUM_SUB,
)



def _hist_body(ei_hbm, out_hbm, idx_v, hist_v, sem):
    wid = lax.axis_index("s") * NUM_SC + lax.axis_index("c")
    cp = pltpu.async_copy(ei_hbm.at[1, pl.ds(wid * EPW, EPW)], idx_v, sem)
    zeros16 = jnp.zeros((16,), jnp.float32)

    @pl.loop(0, NPAD // 16, step=8)
    def _(i):
        for u in range(8):
            hist_v[pl.ds(pl.multiple_of((i + u) * 16, 16), 16)] = zeros16

    ones16 = jnp.ones((16,), jnp.float32)
    cp.wait()

    @pl.loop(0, EPW // 16, step=5)
    def _(i):
        for u in range(5):
            idx = idx_v[pl.ds(pl.multiple_of((i + u) * 16, 16), 16)]
            plsc.addupdate_scatter(hist_v, [idx], ones16)

    pltpu.sync_copy(hist_v, out_hbm.at[wid])


_sc_params = pltpu.CompilerParams(
    needs_layout_passes=False, use_tc_tiling_on_sc=False
)

_hist_call = functools.partial(
    pl.kernel,
    out_type=jax.ShapeDtypeStruct((NW, NPAD), jnp.float32),
    mesh=_mesh,
    compiler_params=_sc_params,
    scratch_types=[
        pltpu.VMEM((EPW,), jnp.int32),
        pltpu.VMEM((NPAD,), jnp.float32),
        pltpu.SemaphoreType.DMA,
    ],
)(_hist_body)



def _h_body(x_ref, w_ref, h_ref):
    h = jnp.dot(x_ref[...], w_ref[...], preferred_element_type=jnp.float32)
    h_ref[...] = jnp.pad(h, ((0, NPAD - N), (0, CPAD - NCLS)))


def _h_call(x, w):
    return pl.pallas_call(
        _h_body,
        out_shape=jax.ShapeDtypeStruct((NPAD, CPAD), jnp.float32),
    )(x, w)


_GB = 128


def _g_body(h_ref, hist_ref, g_ref, dinv_ref):
    ones = jnp.ones((NW, 1), jnp.float32)
    deg = lax.dot_general(
        hist_ref[...], ones,
        dimension_numbers=(((0,), (0,)), ((), ())),
        preferred_element_type=jnp.float32,
    ) + 1.0
    dinv = lax.rsqrt(deg)
    dinv_ref[...] = dinv
    g_ref[...] = h_ref[...] * dinv


def _g_call(h, hist):
    return pl.pallas_call(
        _g_body,
        out_shape=[
            jax.ShapeDtypeStruct((NPAD, CPAD), jnp.float32),
            jax.ShapeDtypeStruct((NPAD, 1), jnp.float32),
        ],
    )(h, hist)



def _blk(v_ref, j):
    return v_ref.at[pl.ds(pl.multiple_of(j * BLK, BLK), BLK)]


def _main_body(g_hbm, ei_hbm, zero_hbm, out_hbm,
               src_v, dst_v, rows0, rows1, g_sh, acc_sh, sem0, sem1):
    c = lax.axis_index("c")
    s = lax.axis_index("s")
    wid = s * NUM_SC + c
    base = wid * EPW
    cp1 = pltpu.async_copy(zero_hbm.at[pl.ds(s * RPS, RPS)],
                           acc_sh.at[pl.ds(s * RPS, RPS)], sem0)
    cp2 = pltpu.async_copy(g_hbm.at[pl.ds(s * RPS, RPS)],
                           g_sh.at[pl.ds(s * RPS, RPS)], sem1)
    cp3 = pltpu.async_copy(ei_hbm.at[0, pl.ds(base, EPW)], src_v, sem0)
    cp4 = pltpu.async_copy(ei_hbm.at[1, pl.ds(base, EPW)], dst_v, sem1)
    cp1.wait()
    cp2.wait()
    cp3.wait()
    cp4.wait()
    plsc.subcore_barrier()

    pltpu.async_copy(g_sh.at[_blk(src_v, 0)], rows0, sem0)
    pltpu.async_copy(g_sh.at[_blk(src_v, 1)], rows1, sem1)

    @pl.loop(0, EBF, step=2)
    def _(j):
        pltpu.make_async_copy(g_sh.at[_blk(src_v, 0)], rows0, sem0).wait()
        pltpu.sync_copy(rows0, acc_sh.at[_blk(dst_v, j)], add=True)

        @pl.when(j + 2 < EBF)
        def _():
            pltpu.async_copy(g_sh.at[_blk(src_v, j + 2)], rows0, sem0)

        pltpu.make_async_copy(g_sh.at[_blk(src_v, 1)], rows1, sem1).wait()
        pltpu.sync_copy(rows1, acc_sh.at[_blk(dst_v, j + 1)], add=True)

        @pl.when(j + 3 < EBF)
        def _():
            pltpu.async_copy(g_sh.at[_blk(src_v, j + 3)], rows1, sem1)

    tail = pl.ds(EBF * BLK, TAIL)
    pltpu.sync_copy(g_sh.at[src_v.at[tail]], rows0.at[pl.ds(0, TAIL)])
    pltpu.sync_copy(rows0.at[pl.ds(0, TAIL)], acc_sh.at[dst_v.at[tail]],
                    add=True)

    plsc.subcore_barrier()
    pltpu.sync_copy(acc_sh.at[pl.ds(s * RPS, RPS)],
                    out_hbm.at[c, pl.ds(s * RPS, RPS)])


_main_call = functools.partial(
    pl.kernel,
    out_type=jax.ShapeDtypeStruct((NUM_SC, NPAD, CPAD), jnp.float32),
    mesh=_mesh,
    compiler_params=_sc_params,
    scratch_types=[
        pltpu.VMEM((EPW,), jnp.int32),
        pltpu.VMEM((EPW,), jnp.int32),
        pltpu.VMEM((BLK, CPAD), jnp.float32),
        pltpu.VMEM((BLK, CPAD), jnp.float32),
        pltpu.VMEM_SHARED((NPAD, CPAD), jnp.float32),
        pltpu.VMEM_SHARED((NPAD, CPAD), jnp.float32),
        pltpu.SemaphoreType.DMA,
        pltpu.SemaphoreType.DMA,
    ],
)(_main_body)



_FB = 1000


def _final_body(acc_ref, g_ref, dinv_ref, b_ref, o_ref):
    total = acc_ref[0] + acc_ref[1] + g_ref[...]
    z = total[:, :NCLS] * dinv_ref[...] + b_ref[...]
    m = jnp.max(z, axis=1, keepdims=True)
    lse = jnp.log(jnp.sum(jnp.exp(z - m), axis=1, keepdims=True))
    o_ref[...] = z - m - lse


def _final_call(acc, g, dinv, b):
    return pl.pallas_call(
        _final_body,
        grid=(N // _FB,),
        in_specs=[
            pl.BlockSpec((NUM_SC, _FB, CPAD), lambda i: (0, i, 0)),
            pl.BlockSpec((_FB, CPAD), lambda i: (i, 0)),
            pl.BlockSpec((_FB, 1), lambda i: (i, 0)),
            pl.BlockSpec((1, NCLS), lambda i: (0, 0)),
        ],
        out_specs=pl.BlockSpec((_FB, NCLS), lambda i: (i, 0)),
        out_shape=jax.ShapeDtypeStruct((N, NCLS), jnp.float32),
    )(acc, g, dinv, b)



@jax.jit
def kernel(x, edge_index, W, b):
    ei = edge_index.astype(jnp.int32)
    zeros = jnp.zeros((NPAD, CPAD), jnp.float32)

    hist = _hist_call(ei)
    h = _h_call(x.astype(jnp.float32), W.astype(jnp.float32))
    g, dinv = _g_call(h, hist)
    acc = _main_call(g, ei, zeros)
    return _final_call(acc, g, dinv, b.reshape(1, NCLS))

# --- scband reference (transcript-rebuilt; emitter-appended) ---
"""Pipeline reference for scband-gcn-5660766896358 (READ-ONLY COPY).

The authoritative reference and input builder live on the scoring server;
editing this copy changes nothing except your own understanding.
"""

import jax, jax.numpy as jnp
import numpy as np

N_NODES = 10000
N_EDGES = 320000
NFEAT = 128
NCLASS = 40


def setup_inputs(seed: int = 0) -> dict:
    key = jax.random.key(seed)
    k1, k2, k3, k4 = jax.random.split(key, 4)
    x = jax.random.normal(k1, (N_NODES, NFEAT), dtype=jnp.float32)
    edge_index = jax.random.randint(k2, (2, N_EDGES), 0, N_NODES)
    W = jax.random.normal(k3, (NFEAT, NCLASS), dtype=jnp.float32) * (1.0 / np.sqrt(NFEAT))
    b = jnp.zeros((NCLASS,), dtype=jnp.float32)
    return {"x": x, "edge_index": edge_index, "W": W, "b": b}


def reference(x, edge_index, W, b):
    # GCNConv (torch_geometric semantics): add self-loops, symmetric
    # degree normalization, linear transform, scatter-add aggregation,
    # then log_softmax over class dim (per the wrapping GCN module).
    n = x.shape[0]
    loop = jnp.arange(n, dtype=edge_index.dtype)
    src = jnp.concatenate([edge_index[0], loop])
    dst = jnp.concatenate([edge_index[1], loop])
    deg = jnp.zeros((n,), dtype=x.dtype).at[dst].add(1.0)
    dinv = jnp.where(deg > 0, 1.0 / jnp.sqrt(deg), 0.0)
    norm = dinv[src] * dinv[dst]
    h = x @ W
    msg = jnp.take(h, src, axis=0) * norm[:, None]
    agg = jnp.zeros((n, h.shape[1]), dtype=x.dtype).at[dst].add(msg)
    out = agg + b
    return jax.nn.log_softmax(out, axis=1)

if __name__ == "__main__":
    import jax
    _d = setup_inputs()
    print(jax.jit(kernel)(*tuple(_d.values())))

</pallas_src>

<mosaic_0001>
#map = affine_map<(d0, d1) -> (0, 0)>
module attributes {stable_mosaic.version = 14 : i64} {
  func.func @_hist_body(%arg0: i32, %arg1: i32, %arg2: memref<2x320000xi32, #tpu.memory_space<hbm>>, %arg3: memref<32x10112xf32, #tpu.memory_space<hbm>>, %arg4: memref<10000xi32, #tpu.memory_space<vmem>>, %arg5: memref<10112xf32, #tpu.memory_space<vmem>>, %arg6: memref<!tpu.dma_semaphore, #tpu.memory_space<semaphore_mem>>) attributes {dimension_semantics = [#tpu.dimension_semantics<core_parallel>, #tpu.dimension_semantics<subcore_parallel>], iteration_bounds = array<i64: 2, 16>, scalar_prefetch = 0 : i64, scratch_operands = 3 : i64, tpu.core_type = #tpu.core_type<sc_vector_subcore>, window_params = [{transform_indices = #map}, {transform_indices = #map}]} {
    %mul3A = arith.constant 2 : i32
    %mul3A_0 = arith.muli %arg1, %mul3A : i32
    %add3A = arith.addi %mul3A_0, %arg0 : i32
    %mul3A_1 = arith.constant 10000 : i32
    %mul3A_2 = arith.muli %add3A, %mul3A_1 : i32
    %dma_start3A = arith.constant 1 : i32
    %dma_start3A_3 = tpu.memref_slice %arg2[%dma_start3A, %mul3A_2] : memref<2x320000xi32, #tpu.memory_space<hbm>> -> memref<1x10000xi32, #tpu.memory_space<hbm>>
    %dma_start3A_4 = tpu.memref_squeeze %dma_start3A_3 : memref<1x10000xi32, #tpu.memory_space<hbm>> -> memref<10000xi32, #tpu.memory_space<hbm>>
    %dma_start3A_5 = tpu.memref_slice %arg2[%dma_start3A, %mul3A_2] : memref<2x320000xi32, #tpu.memory_space<hbm>> -> memref<1x10000xi32, #tpu.memory_space<hbm>>
    %dma_start3A_6 = tpu.memref_squeeze %dma_start3A_5 : memref<1x10000xi32, #tpu.memory_space<hbm>> -> memref<10000xi32, #tpu.memory_space<hbm>>
    tpu.enqueue_dma source(%dma_start3A_6 : memref<10000xi32, #tpu.memory_space<hbm>>) target(%arg4 : memref<10000xi32, #tpu.memory_space<vmem>>) target_semaphore(%arg6 : memref<!tpu.dma_semaphore, #tpu.memory_space<semaphore_mem>>)
    %broadcast_in_dim3A = arith.constant 0.000000e+00 : f32
    %broadcast_in_dim3A_7 = vector.broadcast %broadcast_in_dim3A : f32 to vector<16xf32>
    %scan3A = arith.constant 0 : i32
    %scan3A_8 = arith.constant 79 : i32
    %scan3A_9 = arith.addi %scan3A, %scan3A_8 : i32
    %scan3A_10 = arith.constant 1 : i32
    scf.for %scan3A_23 = %scan3A to %scan3A_9 step %scan3A_10  : i32 {
      %mul3A_24 = arith.constant 8 : i32
      %mul3A_25 = arith.muli %scan3A_23, %mul3A_24 : i32
      %add3A_26 = arith.constant 0 : i32
      %add3A_27 = arith.addi %add3A_26, %mul3A_25 : i32
      %add3A_28 = arith.constant 0 : i32
      %add3A_29 = arith.addi %add3A_27, %add3A_28 : i32
      %mul3A_30 = arith.constant 16 : i32
      %mul3A_31 = arith.muli %add3A_29, %mul3A_30 : i32
      %multiple_of3A = tpu.assume_multiple %mul3A_31, 16 : i32
      %swap3A = arith.index_cast %multiple_of3A : i32 to index
      %swap3A_32 = tpu.vector_load %arg5[%swap3A] {strides = array<i32>} : memref<10112xf32, #tpu.memory_space<vmem>>, vector<16xf32>,
      tpu.vector_store %arg5[%swap3A], %broadcast_in_dim3A_7 {strides = array<i32>} : memref<10112xf32, #tpu.memory_space<vmem>>, vector<16xf32>,
      %add3A_33 = arith.constant 1 : i32
      %add3A_34 = arith.addi %add3A_27, %add3A_33 : i32
      %mul3A_35 = arith.constant 16 : i32
      %mul3A_36 = arith.muli %add3A_34, %mul3A_35 : i32
      %multiple_of3A_37 = tpu.assume_multiple %mul3A_36, 16 : i32
      %swap3A_38 = arith.index_cast %multiple_of3A_37 : i32 to index
      %swap3A_39 = tpu.vector_load %arg5[%swap3A_38] {strides = array<i32>} : memref<10112xf32, #tpu.memory_space<vmem>>, vector<16xf32>,
      tpu.vector_store %arg5[%swap3A_38], %broadcast_in_dim3A_7 {strides = array<i32>} : memref<10112xf32, #tpu.memory_space<vmem>>, vector<16xf32>,
      %add3A_40 = arith.constant 2 : i32
      %add3A_41 = arith.addi %add3A_27, %add3A_40 : i32
      %mul3A_42 = arith.constant 16 : i32
      %mul3A_43 = arith.muli %add3A_41, %mul3A_42 : i32
      %multiple_of3A_44 = tpu.assume_multiple %mul3A_43, 16 : i32
      %swap3A_45 = arith.index_cast %multiple_of3A_44 : i32 to index
      %swap3A_46 = tpu.vector_load %arg5[%swap3A_45] {strides = array<i32>} : memref<10112xf32, #tpu.memory_space<vmem>>, vector<16xf32>,
      tpu.vector_store %arg5[%swap3A_45], %broadcast_in_dim3A_7 {strides = array<i32>} : memref<10112xf32, #tpu.memory_space<vmem>>, vector<16xf32>,
      %add3A_47 = arith.constant 3 : i32
      %add3A_48 = arith.addi %add3A_27, %add3A_47 : i32
      %mul3A_49 = arith.constant 16 : i32
      %mul3A_50 = arith.muli %add3A_48, %mul3A_49 : i32
      %multiple_of3A_51 = tpu.assume_multiple %mul3A_50, 16 : i32
      %swap3A_52 = arith.index_cast %multiple_of3A_51 : i32 to index
      %swap3A_53 = tpu.vector_load %arg5[%swap3A_52] {strides = array<i32>} : memref<10112xf32, #tpu.memory_space<vmem>>, vector<16xf32>,
      tpu.vector_store %arg5[%swap3A_52], %broadcast_in_dim3A_7 {strides = array<i32>} : memref<10112xf32, #tpu.memory_space<vmem>>, vector<16xf32>,
      %add3A_54 = arith.constant 4 : i32
      %add3A_55 = arith.addi %add3A_27, %add3A_54 : i32
      %mul3A_56 = arith.constant 16 : i32
      %mul3A_57 = arith.muli %add3A_55, %mul3A_56 : i32
      %multiple_of3A_58 = tpu.assume_multiple %mul3A_57, 16 : i32
      %swap3A_59 = arith.index_cast %multiple_of3A_58 : i32 to index
      %swap3A_60 = tpu.vector_load %arg5[%swap3A_59] {strides = array<i32>} : memref<10112xf32, #tpu.memory_space<vmem>>, vector<16xf32>,
      tpu.vector_store %arg5[%swap3A_59], %broadcast_in_dim3A_7 {strides = array<i32>} : memref<10112xf32, #tpu.memory_space<vmem>>, vector<16xf32>,
      %add3A_61 = arith.constant 5 : i32
      %add3A_62 = arith.addi %add3A_27, %add3A_61 : i32
      %mul3A_63 = arith.constant 16 : i32
      %mul3A_64 = arith.muli %add3A_62, %mul3A_63 : i32
      %multiple_of3A_65 = tpu.assume_multiple %mul3A_64, 16 : i32
      %swap3A_66 = arith.index_cast %multiple_of3A_65 : i32 to index
      %swap3A_67 = tpu.vector_load %arg5[%swap3A_66] {strides = array<i32>} : memref<10112xf32, #tpu.memory_space<vmem>>, vector<16xf32>,
      tpu.vector_store %arg5[%swap3A_66], %broadcast_in_dim3A_7 {strides = array<i32>} : memref<10112xf32, #tpu.memory_space<vmem>>, vector<16xf32>,
      %add3A_68 = arith.constant 6 : i32
      %add3A_69 = arith.addi %add3A_27, %add3A_68 : i32
      %mul3A_70 = arith.constant 16 : i32
      %mul3A_71 = arith.muli %add3A_69, %mul3A_70 : i32
      %multiple_of3A_72 = tpu.assume_multiple %mul3A_71, 16 : i32
      %swap3A_73 = arith.index_cast %multiple_of3A_72 : i32 to index
      %swap3A_74 = tpu.vector_load %arg5[%swap3A_73] {strides = array<i32>} : memref<10112xf32, #tpu.memory_space<vmem>>, vector<16xf32>,
      tpu.vector_store %arg5[%swap3A_73], %broadcast_in_dim3A_7 {strides = array<i32>} : memref<10112xf32, #tpu.memory_space<vmem>>, vector<16xf32>,
      %add3A_75 = arith.constant 7 : i32
      %add3A_76 = arith.addi %add3A_27, %add3A_75 : i32
      %mul3A_77 = arith.constant 16 : i32
      %mul3A_78 = arith.muli %add3A_76, %mul3A_77 : i32
      %multiple_of3A_79 = tpu.assume_multiple %mul3A_78, 16 : i32
      %swap3A_80 = arith.index_cast %multiple_of3A_79 : i32 to index
      %swap3A_81 = tpu.vector_load %arg5[%swap3A_80] {strides = array<i32>} : memref<10112xf32, #tpu.memory_space<vmem>>, vector<16xf32>,
      tpu.vector_store %arg5[%swap3A_80], %broadcast_in_dim3A_7 {strides = array<i32>} : memref<10112xf32, #tpu.memory_space<vmem>>, vector<16xf32>,
    }
    %scan3A_11 = arith.constant 79 : i32
    %broadcast_in_dim3A_12 = arith.constant 1.000000e+00 : f32
    %broadcast_in_dim3A_13 = vector.broadcast %broadcast_in_dim3A_12 : f32 to vector<16xf32>
    %dma_wait3A = arith.constant 1 : i32
    %dma_wait3A_14 = tpu.memref_slice %arg2[%dma_wait3A, %mul3A_2] : memref<2x320000xi32, #tpu.memory_space<hbm>> -> memref<1x10000xi32, #tpu.memory_space<hbm>>
    %dma_wait3A_15 = tpu.memref_squeeze %dma_wait3A_14 : memref<1x10000xi32, #tpu.memory_space<hbm>> -> memref<10000xi32, #tpu.memory_space<hbm>>
    %dma_wait3A_16 = tpu.memref_slice %arg2[%dma_wait3A, %mul3A_2] : memref<2x320000xi32, #tpu.memory_space<hbm>> -> memref<1x10000xi32, #tpu.memory_space<hbm>>
    %dma_wait3A_17 = tpu.memref_squeeze %dma_wait3A_16 : memref<1x10000xi32, #tpu.memory_space<hbm>> -> memref<10000xi32, #tpu.memory_space<hbm>>
    tpu.wait_dma2 semaphore(%arg6 : memref<!tpu.dma_semaphore, #tpu.memory_space<semaphore_mem>>) src(%dma_wait3A_17 : memref<10000xi32, #tpu.memory_space<hbm>>) dst(%arg4 : memref<10000xi32, #tpu.memory_space<vmem>>)
    %scan3A_18 = arith.constant 0 : i32
    %scan3A_19 = arith.constant 125 : i32
    %scan3A_20 = arith.addi %scan3A_18, %scan3A_19 : i32
    %scan3A_21 = arith.constant 1 : i32
    scf.for %scan3A_23 = %scan3A_18 to %scan3A_20 step %scan3A_21  : i32 {
      %mul3A_24 = arith.constant 5 : i32
      %mul3A_25 = arith.muli %scan3A_23, %mul3A_24 : i32
      %add3A_26 = arith.constant 0 : i32
      %add3A_27 = arith.addi %add3A_26, %mul3A_25 : i32
      %add3A_28 = arith.constant 0 : i32
      %add3A_29 = arith.addi %add3A_27, %add3A_28 : i32
      %mul3A_30 = arith.constant 16 : i32
      %mul3A_31 = arith.muli %add3A_29, %mul3A_30 : i32
      %multiple_of3A = tpu.assume_multiple %mul3A_31, 16 : i32
      %get3A = arith.index_cast %multiple_of3A : i32 to index
      %get3A_32 = tpu.vector_load %arg4[%get3A] {strides = array<i32>} : memref<10000xi32, #tpu.memory_space<vmem>>, vector<16xi32>,
      tpu.vector_store_idx %arg5[%get3A_32], %broadcast_in_dim3A_13 {add = true} : memref<10112xf32, #tpu.memory_space<vmem>>[vector<16xi32>], vector<16xf32>,
      %add3A_33 = arith.constant 1 : i32
      %add3A_34 = arith.addi %add3A_27, %add3A_33 : i32
      %mul3A_35 = arith.constant 16 : i32
      %mul3A_36 = arith.muli %add3A_34, %mul3A_35 : i32
      %multiple_of3A_37 = tpu.assume_multiple %mul3A_36, 16 : i32
      %get3A_38 = arith.index_cast %multiple_of3A_37 : i32 to index
      %get3A_39 = tpu.vector_load %arg4[%get3A_38] {strides = array<i32>} : memref<10000xi32, #tpu.memory_space<vmem>>, vector<16xi32>,
      tpu.vector_store_idx %arg5[%get3A_39], %broadcast_in_dim3A_13 {add = true} : memref<10112xf32, #tpu.memory_space<vmem>>[vector<16xi32>], vector<16xf32>,
      %add3A_40 = arith.constant 2 : i32
      %add3A_41 = arith.addi %add3A_27, %add3A_40 : i32
      %mul3A_42 = arith.constant 16 : i32
      %mul3A_43 = arith.muli %add3A_41, %mul3A_42 : i32
      %multiple_of3A_44 = tpu.assume_multiple %mul3A_43, 16 : i32
      %get3A_45 = arith.index_cast %multiple_of3A_44 : i32 to index
      %get3A_46 = tpu.vector_load %arg4[%get3A_45] {strides = array<i32>} : memref<10000xi32, #tpu.memory_space<vmem>>, vector<16xi32>,
      tpu.vector_store_idx %arg5[%get3A_46], %broadcast_in_dim3A_13 {add = true} : memref<10112xf32, #tpu.memory_space<vmem>>[vector<16xi32>], vector<16xf32>,
      %add3A_47 = arith.constant 3 : i32
      %add3A_48 = arith.addi %add3A_27, %add3A_47 : i32
      %mul3A_49 = arith.constant 16 : i32
      %mul3A_50 = arith.muli %add3A_48, %mul3A_49 : i32
      %multiple_of3A_51 = tpu.assume_multiple %mul3A_50, 16 : i32
      %get3A_52 = arith.index_cast %multiple_of3A_51 : i32 to index
      %get3A_53 = tpu.vector_load %arg4[%get3A_52] {strides = array<i32>} : memref<10000xi32, #tpu.memory_space<vmem>>, vector<16xi32>,
      tpu.vector_store_idx %arg5[%get3A_53], %broadcast_in_dim3A_13 {add = true} : memref<10112xf32, #tpu.memory_space<vmem>>[vector<16xi32>], vector<16xf32>,
      %add3A_54 = arith.constant 4 : i32
      %add3A_55 = arith.addi %add3A_27, %add3A_54 : i32
      %mul3A_56 = arith.constant 16 : i32
      %mul3A_57 = arith.muli %add3A_55, %mul3A_56 : i32
      %multiple_of3A_58 = tpu.assume_multiple %mul3A_57, 16 : i32
      %get3A_59 = arith.index_cast %multiple_of3A_58 : i32 to index
      %get3A_60 = tpu.vector_load %arg4[%get3A_59] {strides = array<i32>} : memref<10000xi32, #tpu.memory_space<vmem>>, vector<16xi32>,
      tpu.vector_store_idx %arg5[%get3A_60], %broadcast_in_dim3A_13 {add = true} : memref<10112xf32, #tpu.memory_space<vmem>>[vector<16xi32>], vector<16xf32>,
    }
    %scan3A_22 = arith.constant 125 : i32
    "tpu.region"() ({
      %run_scoped3A = tpu.sem_alloc : memref<!tpu.dma_semaphore, #tpu.memory_space<semaphore_mem>>
      %dma_start3A_23 = arith.constant 0 : i32
      %dma_start3A_24 = tpu.memref_slice %arg3[%add3A, %dma_start3A_23] : memref<32x10112xf32, #tpu.memory_space<hbm>> -> memref<1x10112xf32, #tpu.memory_space<hbm>>
      %dma_start3A_25 = tpu.memref_squeeze %dma_start3A_24 : memref<1x10112xf32, #tpu.memory_space<hbm>> -> memref<10112xf32, #tpu.memory_space<hbm>>
      %dma_start3A_26 = arith.constant 0 : i32
      %dma_start3A_27 = tpu.memref_slice %arg3[%add3A, %dma_start3A_26] : memref<32x10112xf32, #tpu.memory_space<hbm>> -> memref<1x10112xf32, #tpu.memory_space<hbm>>
      %dma_start3A_28 = tpu.memref_squeeze %dma_start3A_27 : memref<1x10112xf32, #tpu.memory_space<hbm>> -> memref<10112xf32, #tpu.memory_space<hbm>>
      tpu.enqueue_dma source(%arg5 : memref<10112xf32, #tpu.memory_space<vmem>>) target(%dma_start3A_28 : memref<10112xf32, #tpu.memory_space<hbm>>) target_semaphore(%run_scoped3A : memref<!tpu.dma_semaphore, #tpu.memory_space<semaphore_mem>>)
      %dma_wait3A_29 = arith.constant 0 : i32
      %dma_wait3A_30 = tpu.memref_slice %arg3[%add3A, %dma_wait3A_29] : memref<32x10112xf32, #tpu.memory_space<hbm>> -> memref<1x10112xf32, #tpu.memory_space<hbm>>
      %dma_wait3A_31 = tpu.memref_squeeze %dma_wait3A_30 : memref<1x10112xf32, #tpu.memory_space<hbm>> -> memref<10112xf32, #tpu.memory_space<hbm>>
      %dma_wait3A_32 = arith.constant 0 : i32
      %dma_wait3A_33 = tpu.memref_slice %arg3[%add3A, %dma_wait3A_32] : memref<32x10112xf32, #tpu.memory_space<hbm>> -> memref<1x10112xf32, #tpu.memory_space<hbm>>
      %dma_wait3A_34 = tpu.memref_squeeze %dma_wait3A_33 : memref<1x10112xf32, #tpu.memory_space<hbm>> -> memref<10112xf32, #tpu.memory_space<hbm>>
      tpu.wait_dma2 semaphore(%run_scoped3A : memref<!tpu.dma_semaphore, #tpu.memory_space<semaphore_mem>>) src(%arg5 : memref<10112xf32, #tpu.memory_space<vmem>>) dst(%dma_wait3A_34 : memref<10112xf32, #tpu.memory_space<hbm>>)
      tpu.yield
    }) : () -> ()
    return
  }
}

#map = affine_map<(d0, d1) -> (0, 0)>
#map1 = affine_map<(d0, d1) -> (0, 0, 0)>
module attributes {stable_mosaic.version = 14 : i64} {
  func.func @_main_body(%arg0: i32, %arg1: i32, %arg2: memref<10112x48xf32, #tpu.memory_space<hbm>>, %arg3: memref<2x320000xi32, #tpu.memory_space<hbm>>, %arg4: memref<10112x48xf32, #tpu.memory_space<hbm>>, %arg5: memref<2x10112x48xf32, #tpu.memory_space<hbm>>, %arg6: memref<10000xi32, #tpu.memory_space<vmem>>, %arg7: memref<10000xi32, #tpu.memory_space<vmem>>, %arg8: memref<128x48xf32, #tpu.memory_space<vmem>>, %arg9: memref<128x48xf32, #tpu.memory_space<vmem>>, %arg10: memref<10112x48xf32, #tpu.memory_space<vmem_shared>>, %arg11: memref<10112x48xf32, #tpu.memory_space<vmem_shared>>, %arg12: memref<!tpu.dma_semaphore, #tpu.memory_space<semaphore_mem>>, %arg13: memref<!tpu.dma_semaphore, #tpu.memory_space<semaphore_mem>>) attributes {dimension_semantics = [#tpu.dimension_semantics<core_parallel>, #tpu.dimension_semantics<subcore_parallel>], iteration_bounds = array<i64: 2, 16>, scalar_prefetch = 0 : i64, scratch_operands = 8 : i64, tpu.core_type = #tpu.core_type<sc_vector_subcore>, window_params = [{transform_indices = #map}, {transform_indices = #map}, {transform_indices = #map}, {transform_indices = #map1}]} {
    %mul3A = arith.constant 2 : i32
    %mul3A_0 = arith.muli %arg1, %mul3A : i32
    %add3A = arith.addi %mul3A_0, %arg0 : i32
    %mul3A_1 = arith.constant 10000 : i32
    %mul3A_2 = arith.muli %add3A, %mul3A_1 : i32
    %mul3A_3 = arith.constant 632 : i32
    %mul3A_4 = arith.muli %arg1, %mul3A_3 : i32
    %mul3A_5 = arith.constant 632 : i32
    %mul3A_6 = arith.muli %arg1, %mul3A_5 : i32
    %dma_start3A = arith.constant 0 : i32
    %dma_start3A_7 = tpu.memref_slice %arg11[%mul3A_6, %dma_start3A] : memref<10112x48xf32, #tpu.memory_space<vmem_shared>> -> memref<632x48xf32, #tpu.memory_space<vmem_shared>>
    %dma_start3A_8 = arith.constant 0 : i32
    %dma_start3A_9 = tpu.memref_slice %arg4[%mul3A_4, %dma_start3A_8] : memref<10112x48xf32, #tpu.memory_space<hbm>> -> memref<632x48xf32, #tpu.memory_space<hbm>>
    tpu.enqueue_dma source(%dma_start3A_9 : memref<632x48xf32, #tpu.memory_space<hbm>>) target(%dma_start3A_7 : memref<632x48xf32, #tpu.memory_space<vmem_shared>>) target_semaphore(%arg12 : memref<!tpu.dma_semaphore, #tpu.memory_space<semaphore_mem>>)
    %mul3A_10 = arith.constant 632 : i32
    %mul3A_11 = arith.muli %arg1, %mul3A_10 : i32
    %mul3A_12 = arith.constant 632 : i32
    %mul3A_13 = arith.muli %arg1, %mul3A_12 : i32
    %dma_start3A_14 = arith.constant 0 : i32
    %dma_start3A_15 = tpu.memref_slice %arg10[%mul3A_13, %dma_start3A_14] : memref<10112x48xf32, #tpu.memory_space<vmem_shared>> -> memref<632x48xf32, #tpu.memory_space<vmem_shared>>
    %dma_start3A_16 = arith.constant 0 : i32
    %dma_start3A_17 = tpu.memref_slice %arg2[%mul3A_11, %dma_start3A_16] : memref<10112x48xf32, #tpu.memory_space<hbm>> -> memref<632x48xf32, #tpu.memory_space<hbm>>
    tpu.enqueue_dma source(%dma_start3A_17 : memref<632x48xf32, #tpu.memory_space<hbm>>) target(%dma_start3A_15 : memref<632x48xf32, #tpu.memory_space<vmem_shared>>) target_semaphore(%arg13 : memref<!tpu.dma_semaphore, #tpu.memory_space<semaphore_mem>>)
    %dma_start3A_18 = arith.constant 0 : i32
    %dma_start3A_19 = tpu.memref_slice %arg3[%dma_start3A_18, %mul3A_2] : memref<2x320000xi32, #tpu.memory_space<hbm>> -> memref<1x10000xi32, #tpu.memory_space<hbm>>
    %dma_start3A_20 = tpu.memref_squeeze %dma_start3A_19 : memref<1x10000xi32, #tpu.memory_space<hbm>> -> memref<10000xi32, #tpu.memory_space<hbm>>
    %dma_start3A_21 = tpu.memref_slice %arg3[%dma_start3A_18, %mul3A_2] : memref<2x320000xi32, #tpu.memory_space<hbm>> -> memref<1x10000xi32, #tpu.memory_space<hbm>>
    %dma_start3A_22 = tpu.memref_squeeze %dma_start3A_21 : memref<1x10000xi32, #tpu.memory_space<hbm>> -> memref<10000xi32, #tpu.memory_space<hbm>>
    tpu.enqueue_dma source(%dma_start3A_22 : memref<10000xi32, #tpu.memory_space<hbm>>) target(%arg6 : memref<10000xi32, #tpu.memory_space<vmem>>) target_semaphore(%arg12 : memref<!tpu.dma_semaphore, #tpu.memory_space<semaphore_mem>>)
    %dma_start3A_23 = arith.constant 1 : i32
    %dma_start3A_24 = tpu.memref_slice %arg3[%dma_start3A_23, %mul3A_2] : memref<2x320000xi32, #tpu.memory_space<hbm>> -> memref<1x10000xi32, #tpu.memory_space<hbm>>
    %dma_start3A_25 = tpu.memref_squeeze %dma_start3A_24 : memref<1x10000xi32, #tpu.memory_space<hbm>> -> memref<10000xi32, #tpu.memory_space<hbm>>
    %dma_start3A_26 = tpu.memref_slice %arg3[%dma_start3A_23, %mul3A_2] : memref<2x320000xi32, #tpu.memory_space<hbm>> -> memref<1x10000xi32, #tpu.memory_space<hbm>>
    %dma_start3A_27 = tpu.memref_squeeze %dma_start3A_26 : memref<1x10000xi32, #tpu.memory_space<hbm>> -> memref<10000xi32, #tpu.memory_space<hbm>>
    tpu.enqueue_dma source(%dma_start3A_27 : memref<10000xi32, #tpu.memory_space<hbm>>) target(%arg7 : memref<10000xi32, #tpu.memory_space<vmem>>) target_semaphore(%arg13 : memref<!tpu.dma_semaphore, #tpu.memory_space<semaphore_mem>>)
    %dma_wait3A = arith.constant 0 : i32
    %dma_wait3A_28 = tpu.memref_slice %arg11[%mul3A_6, %dma_wait3A] : memref<10112x48xf32, #tpu.memory_space<vmem_shared>> -> memref<632x48xf32, #tpu.memory_space<vmem_shared>>
    %dma_wait3A_29 = arith.constant 0 : i32
    %dma_wait3A_30 = tpu.memref_slice %arg4[%mul3A_4, %dma_wait3A_29] : memref<10112x48xf32, #tpu.memory_space<hbm>> -> memref<632x48xf32, #tpu.memory_space<hbm>>
    tpu.wait_dma2 semaphore(%arg12 : memref<!tpu.dma_semaphore, #tpu.memory_space<semaphore_mem>>) src(%dma_wait3A_30 : memref<632x48xf32, #tpu.memory_space<hbm>>) dst(%dma_wait3A_28 : memref<632x48xf32, #tpu.memory_space<vmem_shared>>)
    %dma_wait3A_31 = arith.constant 0 : i32
    %dma_wait3A_32 = tpu.memref_slice %arg10[%mul3A_13, %dma_wait3A_31] : memref<10112x48xf32, #tpu.memory_space<vmem_shared>> -> memref<632x48xf32, #tpu.memory_space<vmem_shared>>
    %dma_wait3A_33 = arith.constant 0 : i32
    %dma_wait3A_34 = tpu.memref_slice %arg2[%mul3A_11, %dma_wait3A_33] : memref<10112x48xf32, #tpu.memory_space<hbm>> -> memref<632x48xf32, #tpu.memory_space<hbm>>
    tpu.wait_dma2 semaphore(%arg13 : memref<!tpu.dma_semaphore, #tpu.memory_space<semaphore_mem>>) src(%dma_wait3A_34 : memref<632x48xf32, #tpu.memory_space<hbm>>) dst(%dma_wait3A_32 : memref<632x48xf32, #tpu.memory_space<vmem_shared>>)
    %dma_wait3A_35 = arith.constant 0 : i32
    %dma_wait3A_36 = tpu.memref_slice %arg3[%dma_wait3A_35, %mul3A_2] : memref<2x320000xi32, #tpu.memory_space<hbm>> -> memref<1x10000xi32, #tpu.memory_space<hbm>>
    %dma_wait3A_37 = tpu.memref_squeeze %dma_wait3A_36 : memref<1x10000xi32, #tpu.memory_space<hbm>> -> memref<10000xi32, #tpu.memory_space<hbm>>
    %dma_wait3A_38 = tpu.memref_slice %arg3[%dma_wait3A_35, %mul3A_2] : memref<2x320000xi32, #tpu.memory_space<hbm>> -> memref<1x10000xi32, #tpu.memory_space<hbm>>
    %dma_wait3A_39 = tpu.memref_squeeze %dma_wait3A_38 : memref<1x10000xi32, #tpu.memory_space<hbm>> -> memref<10000xi32, #tpu.memory_space<hbm>>
    tpu.wait_dma2 semaphore(%arg12 : memref<!tpu.dma_semaphore, #tpu.memory_space<semaphore_mem>>) src(%dma_wait3A_39 : memref<10000xi32, #tpu.memory_space<hbm>>) dst(%arg6 : memref<10000xi32, #tpu.memory_space<vmem>>)
    %dma_wait3A_40 = arith.constant 1 : i32
    %dma_wait3A_41 = tpu.memref_slice %arg3[%dma_wait3A_40, %mul3A_2] : memref<2x320000xi32, #tpu.memory_space<hbm>> -> memref<1x10000xi32, #tpu.memory_space<hbm>>
    %dma_wait3A_42 = tpu.memref_squeeze %dma_wait3A_41 : memref<1x10000xi32, #tpu.memory_space<hbm>> -> memref<10000xi32, #tpu.memory_space<hbm>>
    %dma_wait3A_43 = tpu.memref_slice %arg3[%dma_wait3A_40, %mul3A_2] : memref<2x320000xi32, #tpu.memory_space<hbm>> -> memref<1x10000xi32, #tpu.memory_space<hbm>>
    %dma_wait3A_44 = tpu.memref_squeeze %dma_wait3A_43 : memref<1x10000xi32, #tpu.memory_space<hbm>> -> memref<10000xi32, #tpu.memory_space<hbm>>
    tpu.wait_dma2 semaphore(%arg13 : memref<!tpu.dma_semaphore, #tpu.memory_space<semaphore_mem>>) src(%dma_wait3A_44 : memref<10000xi32, #tpu.memory_space<hbm>>) dst(%arg7 : memref<10000xi32, #tpu.memory_space<vmem>>)
    %barrier3A = arith.constant 0 : index
    tpu.barrier barrier_id(%barrier3A)
    %multiple_of3A = arith.constant 0 : i32
    %multiple_of3A_45 = tpu.assume_multiple %multiple_of3A, 128 : i32
    %dma_start3A_46 = tpu.memref_slice %arg6[%multiple_of3A_45] : memref<10000xi32, #tpu.memory_space<vmem>> -> memref<128xi32, #tpu.memory_space<vmem>>
    %dma_start3A_47 = arith.constant 0 : i32
    %dma_start3A_48 = arith.constant 0 : i32
    %dma_start3A_49 = tpu.memref_slice %arg10[%dma_start3A_47, %dma_start3A_48] : memref<10112x48xf32, #tpu.memory_space<vmem_shared>> -> memref<10112x48xf32, #tpu.memory_space<vmem_shared>>
    tpu.enqueue_indirect_dma source(%dma_start3A_49 : memref<10112x48xf32, #tpu.memory_space<vmem_shared>>) target(%arg8 : memref<128x48xf32, #tpu.memory_space<vmem>>) offsets(%dma_start3A_46 : memref<128xi32, #tpu.memory_space<vmem>>) semaphore(%arg12 : memref<!tpu.dma_semaphore, #tpu.memory_space<semaphore_mem>>)
    %multiple_of3A_50 = arith.constant 128 : i32
    %multiple_of3A_51 = tpu.assume_multiple %multiple_of3A_50, 128 : i32
    %dma_start3A_52 = tpu.memref_slice %arg6[%multiple_of3A_51] : memref<10000xi32, #tpu.memory_space<vmem>> -> memref<128xi32, #tpu.memory_space<vmem>>
    %dma_start3A_53 = arith.constant 0 : i32
    %dma_start3A_54 = arith.constant 0 : i32
    %dma_start3A_55 = tpu.memref_slice %arg10[%dma_start3A_53, %dma_start3A_54] : memref<10112x48xf32, #tpu.memory_space<vmem_shared>> -> memref<10112x48xf32, #tpu.memory_space<vmem_shared>>
    tpu.enqueue_indirect_dma source(%dma_start3A_55 : memref<10112x48xf32, #tpu.memory_space<vmem_shared>>) target(%arg9 : memref<128x48xf32, #tpu.memory_space<vmem>>) offsets(%dma_start3A_52 : memref<128xi32, #tpu.memory_space<vmem>>) semaphore(%arg13 : memref<!tpu.dma_semaphore, #tpu.memory_space<semaphore_mem>>)
    %scan3A = arith.constant 0 : i32
    %scan3A_56 = arith.constant 39 : i32
    %scan3A_57 = arith.addi %scan3A, %scan3A_56 : i32
    %scan3A_58 = arith.constant 1 : i32
    scf.for %scan3A_65 = %scan3A to %scan3A_57 step %scan3A_58  : i32 {
      %mul3A_66 = arith.constant 2 : i32
      %mul3A_67 = arith.muli %scan3A_65, %mul3A_66 : i32
      %add3A_68 = arith.constant 0 : i32
      %add3A_69 = arith.addi %add3A_68, %mul3A_67 : i32
      %multiple_of3A_70 = arith.constant 0 : i32
      %multiple_of3A_71 = tpu.assume_multiple %multiple_of3A_70, 128 : i32
      %dma_wait3A_72 = tpu.memref_slice %arg6[%multiple_of3A_71] : memref<10000xi32, #tpu.memory_space<vmem>> -> memref<128xi32, #tpu.memory_space<vmem>>
      %dma_wait3A_73 = arith.constant 0 : i32
      %dma_wait3A_74 = arith.constant 0 : i32
      %dma_wait3A_75 = tpu.memref_slice %arg10[%dma_wait3A_73, %dma_wait3A_74] : memref<10112x48xf32, #tpu.memory_space<vmem_shared>> -> memref<10112x48xf32, #tpu.memory_space<vmem_shared>>
      tpu.wait_indirect_dma semaphore(%arg12 : memref<!tpu.dma_semaphore, #tpu.memory_space<semaphore_mem>>) src(%dma_wait3A_75 : memref<10112x48xf32, #tpu.memory_space<vmem_shared>>) dst(%arg8 : memref<128x48xf32, #tpu.memory_space<vmem>>)
      %mul3A_76 = arith.constant 128 : i32
      %mul3A_77 = arith.muli %add3A_69, %mul3A_76 : i32
      %multiple_of3A_78 = tpu.assume_multiple %mul3A_77, 128 : i32
      "tpu.region"() ({
        %run_scoped3A = tpu.sem_alloc : memref<!tpu.dma_semaphore, #tpu.memory_space<semaphore_mem>>
        %dma_start3A_101 = tpu.memref_slice %arg7[%multiple_of3A_78] : memref<10000xi32, #tpu.memory_space<vmem>> -> memref<128xi32, #tpu.memory_space<vmem>>
        %dma_start3A_102 = arith.constant 0 : i32
        %dma_start3A_103 = arith.constant 0 : i32
        %dma_start3A_104 = tpu.memref_slice %arg11[%dma_start3A_102, %dma_start3A_103] : memref<10112x48xf32, #tpu.memory_space<vmem_shared>> -> memref<10112x48xf32, #tpu.memory_space<vmem_shared>>
        tpu.enqueue_indirect_dma source(%arg8 : memref<128x48xf32, #tpu.memory_space<vmem>>) target(%dma_start3A_104 : memref<10112x48xf32, #tpu.memory_space<vmem_shared>>) offsets(%dma_start3A_101 : memref<128xi32, #tpu.memory_space<vmem>>) semaphore(%run_scoped3A : memref<!tpu.dma_semaphore, #tpu.memory_space<semaphore_mem>>) {add = true}
        %dma_wait3A_105 = tpu.memref_slice %arg7[%multiple_of3A_78] : memref<10000xi32, #tpu.memory_space<vmem>> -> memref<128xi32, #tpu.memory_space<vmem>>
        %dma_wait3A_106 = arith.constant 0 : i32
        %dma_wait3A_107 = arith.constant 0 : i32
        %dma_wait3A_108 = tpu.memref_slice %arg11[%dma_wait3A_106, %dma_wait3A_107] : memref<10112x48xf32, #tpu.memory_space<vmem_shared>> -> memref<10112x48xf32, #tpu.memory_space<vmem_shared>>
        tpu.wait_indirect_dma semaphore(%run_scoped3A : memref<!tpu.dma_semaphore, #tpu.memory_space<semaphore_mem>>) src(%arg8 : memref<128x48xf32, #tpu.memory_space<vmem>>) dst(%dma_wait3A_108 : memref<10112x48xf32, #tpu.memory_space<vmem_shared>>)
        tpu.yield
      }) : () -> ()
      %add3A_79 = arith.constant 2 : i32
      %add3A_80 = arith.addi %add3A_69, %add3A_79 : i32
      %lt3A = arith.constant 78 : i32
      %lt3A_81 = arith.cmpi slt, %add3A_80, %lt3A : i32
      %convert_element_type3A = arith.extui %lt3A_81 : i1 to i32
      %cond3A = arith.constant 0 : i32
      %cond3A_82 = arith.cmpi ne, %convert_element_type3A, %cond3A : i32
      scf.if %cond3A_82 {
        %add3A_101 = arith.constant 2 : i32
        %add3A_102 = arith.addi %add3A_69, %add3A_101 : i32
        %mul3A_103 = arith.constant 128 : i32
        %mul3A_104 = arith.muli %add3A_102, %mul3A_103 : i32
        %multiple_of3A_105 = tpu.assume_multiple %mul3A_104, 128 : i32
        %dma_start3A_106 = tpu.memref_slice %arg6[%multiple_of3A_105] : memref<10000xi32, #tpu.memory_space<vmem>> -> memref<128xi32, #tpu.memory_space<vmem>>
        %dma_start3A_107 = arith.constant 0 : i32
        %dma_start3A_108 = arith.constant 0 : i32
        %dma_start3A_109 = tpu.memref_slice %arg10[%dma_start3A_107, %dma_start3A_108] : memref<10112x48xf32, #tpu.memory_space<vmem_shared>> -> memref<10112x48xf32, #tpu.memory_space<vmem_shared>>
        tpu.enqueue_indirect_dma source(%dma_start3A_109 : memref<10112x48xf32, #tpu.memory_space<vmem_shared>>) target(%arg8 : memref<128x48xf32, #tpu.memory_space<vmem>>) offsets(%dma_start3A_106 : memref<128xi32, #tpu.memory_space<vmem>>) semaphore(%arg12 : memref<!tpu.dma_semaphore, #tpu.memory_space<semaphore_mem>>)
      } else {
      }
      %multiple_of3A_83 = arith.constant 128 : i32
      %multiple_of3A_84 = tpu.assume_multiple %multiple_of3A_83, 128 : i32
      %dma_wait3A_85 = tpu.memref_slice %arg6[%multiple_of3A_84] : memref<10000xi32, #tpu.memory_space<vmem>> -> memref<128xi32, #tpu.memory_space<vmem>>
      %dma_wait3A_86 = arith.constant 0 : i32
      %dma_wait3A_87 = arith.constant 0 : i32
      %dma_wait3A_88 = tpu.memref_slice %arg10[%dma_wait3A_86, %dma_wait3A_87] : memref<10112x48xf32, #tpu.memory_space<vmem_shared>> -> memref<10112x48xf32, #tpu.memory_space<vmem_shared>>
      tpu.wait_indirect_dma semaphore(%arg13 : memref<!tpu.dma_semaphore, #tpu.memory_space<semaphore_mem>>) src(%dma_wait3A_88 : memref<10112x48xf32, #tpu.memory_space<vmem_shared>>) dst(%arg9 : memref<128x48xf32, #tpu.memory_space<vmem>>)
      %add3A_89 = arith.constant 1 : i32
      %add3A_90 = arith.addi %add3A_69, %add3A_89 : i32
      %mul3A_91 = arith.constant 128 : i32
      %mul3A_92 = arith.muli %add3A_90, %mul3A_91 : i32
      %multiple_of3A_93 = tpu.assume_multiple %mul3A_92, 128 : i32
      "tpu.region"() ({
        %run_scoped3A = tpu.sem_alloc : memref<!tpu.dma_semaphore, #tpu.memory_space<semaphore_mem>>
        %dma_start3A_101 = tpu.memref_slice %arg7[%multiple_of3A_93] : memref<10000xi32, #tpu.memory_space<vmem>> -> memref<128xi32, #tpu.memory_space<vmem>>
        %dma_start3A_102 = arith.constant 0 : i32
        %dma_start3A_103 = arith.constant 0 : i32
        %dma_start3A_104 = tpu.memref_slice %arg11[%dma_start3A_102, %dma_start3A_103] : memref<10112x48xf32, #tpu.memory_space<vmem_shared>> -> memref<10112x48xf32, #tpu.memory_space<vmem_shared>>
        tpu.enqueue_indirect_dma source(%arg9 : memref<128x48xf32, #tpu.memory_space<vmem>>) target(%dma_start3A_104 : memref<10112x48xf32, #tpu.memory_space<vmem_shared>>) offsets(%dma_start3A_101 : memref<128xi32, #tpu.memory_space<vmem>>) semaphore(%run_scoped3A : memref<!tpu.dma_semaphore, #tpu.memory_space<semaphore_mem>>) {add = true}
        %dma_wait3A_105 = tpu.memref_slice %arg7[%multiple_of3A_93] : memref<10000xi32, #tpu.memory_space<vmem>> -> memref<128xi32, #tpu.memory_space<vmem>>
        %dma_wait3A_106 = arith.constant 0 : i32
        %dma_wait3A_107 = arith.constant 0 : i32
        %dma_wait3A_108 = tpu.memref_slice %arg11[%dma_wait3A_106, %dma_wait3A_107] : memref<10112x48xf32, #tpu.memory_space<vmem_shared>> -> memref<10112x48xf32, #tpu.memory_space<vmem_shared>>
        tpu.wait_indirect_dma semaphore(%run_scoped3A : memref<!tpu.dma_semaphore, #tpu.memory_space<semaphore_mem>>) src(%arg9 : memref<128x48xf32, #tpu.memory_space<vmem>>) dst(%dma_wait3A_108 : memref<10112x48xf32, #tpu.memory_space<vmem_shared>>)
        tpu.yield
      }) : () -> ()
      %add3A_94 = arith.constant 3 : i32
      %add3A_95 = arith.addi %add3A_69, %add3A_94 : i32
      %lt3A_96 = arith.constant 78 : i32
      %lt3A_97 = arith.cmpi slt, %add3A_95, %lt3A_96 : i32
      %convert_element_type3A_98 = arith.extui %lt3A_97 : i1 to i32
      %cond3A_99 = arith.constant 0 : i32
      %cond3A_100 = arith.cmpi ne, %convert_element_type3A_98, %cond3A_99 : i32
      scf.if %cond3A_100 {
        %add3A_101 = arith.constant 3 : i32
        %add3A_102 = arith.addi %add3A_69, %add3A_101 : i32
        %mul3A_103 = arith.constant 128 : i32
        %mul3A_104 = arith.muli %add3A_102, %mul3A_103 : i32
        %multiple_of3A_105 = tpu.assume_multiple %mul3A_104, 128 : i32
        %dma_start3A_106 = tpu.memref_slice %arg6[%multiple_of3A_105] : memref<10000xi32, #tpu.memory_space<vmem>> -> memref<128xi32, #tpu.memory_space<vmem>>
        %dma_start3A_107 = arith.constant 0 : i32
        %dma_start3A_108 = arith.constant 0 : i32
        %dma_start3A_109 = tpu.memref_slice %arg10[%dma_start3A_107, %dma_start3A_108] : memref<10112x48xf32, #tpu.memory_space<vmem_shared>> -> memref<10112x48xf32, #tpu.memory_space<vmem_shared>>
        tpu.enqueue_indirect_dma source(%dma_start3A_109 : memref<10112x48xf32, #tpu.memory_space<vmem_shared>>) target(%arg9 : memref<128x48xf32, #tpu.memory_space<vmem>>) offsets(%dma_start3A_106 : memref<128xi32, #tpu.memory_space<vmem>>) semaphore(%arg13 : memref<!tpu.dma_semaphore, #tpu.memory_space<semaphore_mem>>)
      } else {
      }
    }
    %scan3A_59 = arith.constant 39 : i32
    "tpu.region"() ({
      %run_scoped3A = tpu.sem_alloc : memref<!tpu.dma_semaphore, #tpu.memory_space<semaphore_mem>>
      %dma_start3A_65 = arith.constant 0 : i32
      %dma_start3A_66 = arith.constant 0 : i32
      %dma_start3A_67 = tpu.memref_slice %arg8[%dma_start3A_65, %dma_start3A_66] : memref<128x48xf32, #tpu.memory_space<vmem>> -> memref<16x48xf32, #tpu.memory_space<vmem>>
      %dma_start3A_68 = arith.constant 9984 : i32
      %dma_start3A_69 = tpu.memref_slice %arg6[%dma_start3A_68] : memref<10000xi32, #tpu.memory_space<vmem>> -> memref<16xi32, #tpu.memory_space<vmem>>
      %dma_start3A_70 = arith.constant 0 : i32
      %dma_start3A_71 = arith.constant 0 : i32
      %dma_start3A_72 = tpu.memref_slice %arg10[%dma_start3A_70, %dma_start3A_71] : memref<10112x48xf32, #tpu.memory_space<vmem_shared>> -> memref<10112x48xf32, #tpu.memory_space<vmem_shared>>
      tpu.enqueue_indirect_dma source(%dma_start3A_72 : memref<10112x48xf32, #tpu.memory_space<vmem_shared>>) target(%dma_start3A_67 : memref<16x48xf32, #tpu.memory_space<vmem>>) offsets(%dma_start3A_69 : memref<16xi32, #tpu.memory_space<vmem>>) semaphore(%run_scoped3A : memref<!tpu.dma_semaphore, #tpu.memory_space<semaphore_mem>>)
      %dma_wait3A_73 = arith.constant 0 : i32
      %dma_wait3A_74 = arith.constant 0 : i32
      %dma_wait3A_75 = tpu.memref_slice %arg8[%dma_wait3A_73, %dma_wait3A_74] : memref<128x48xf32, #tpu.memory_space<vmem>> -> memref<16x48xf32, #tpu.memory_space<vmem>>
      %dma_wait3A_76 = arith.constant 9984 : i32
      %dma_wait3A_77 = tpu.memref_slice %arg6[%dma_wait3A_76] : memref<10000xi32, #tpu.memory_space<vmem>> -> memref<16xi32, #tpu.memory_space<vmem>>
      %dma_wait3A_78 = arith.constant 0 : i32
      %dma_wait3A_79 = arith.constant 0 : i32
      %dma_wait3A_80 = tpu.memref_slice %arg10[%dma_wait3A_78, %dma_wait3A_79] : memref<10112x48xf32, #tpu.memory_space<vmem_shared>> -> memref<10112x48xf32, #tpu.memory_space<vmem_shared>>
      tpu.wait_indirect_dma semaphore(%run_scoped3A : memref<!tpu.dma_semaphore, #tpu.memory_space<semaphore_mem>>) src(%dma_wait3A_80 : memref<10112x48xf32, #tpu.memory_space<vmem_shared>>) dst(%dma_wait3A_75 : memref<16x48xf32, #tpu.memory_space<vmem>>)
      tpu.yield
    }) : () -> ()
    "tpu.region"() ({
      %run_scoped3A = tpu.sem_alloc : memref<!tpu.dma_semaphore, #tpu.memory_space<semaphore_mem>>
      %dma_start3A_65 = arith.constant 0 : i32
      %dma_start3A_66 = arith.constant 0 : i32
      %dma_start3A_67 = tpu.memref_slice %arg8[%dma_start3A_65, %dma_start3A_66] : memref<128x48xf32, #tpu.memory_space<vmem>> -> memref<16x48xf32, #tpu.memory_space<vmem>>
      %dma_start3A_68 = arith.constant 9984 : i32
      %dma_start3A_69 = tpu.memref_slice %arg7[%dma_start3A_68] : memref<10000xi32, #tpu.memory_space<vmem>> -> memref<16xi32, #tpu.memory_space<vmem>>
      %dma_start3A_70 = arith.constant 0 : i32
      %dma_start3A_71 = arith.constant 0 : i32
      %dma_start3A_72 = tpu.memref_slice %arg11[%dma_start3A_70, %dma_start3A_71] : memref<10112x48xf32, #tpu.memory_space<vmem_shared>> -> memref<10112x48xf32, #tpu.memory_space<vmem_shared>>
      tpu.enqueue_indirect_dma source(%dma_start3A_67 : memref<16x48xf32, #tpu.memory_space<vmem>>) target(%dma_start3A_72 : memref<10112x48xf32, #tpu.memory_space<vmem_shared>>) offsets(%dma_start3A_69 : memref<16xi32, #tpu.memory_space<vmem>>) semaphore(%run_scoped3A : memref<!tpu.dma_semaphore, #tpu.memory_space<semaphore_mem>>) {add = true}
      %dma_wait3A_73 = arith.constant 0 : i32
      %dma_wait3A_74 = arith.constant 0 : i32
      %dma_wait3A_75 = tpu.memref_slice %arg8[%dma_wait3A_73, %dma_wait3A_74] : memref<128x48xf32, #tpu.memory_space<vmem>> -> memref<16x48xf32, #tpu.memory_space<vmem>>
      %dma_wait3A_76 = arith.constant 9984 : i32
      %dma_wait3A_77 = tpu.memref_slice %arg7[%dma_wait3A_76] : memref<10000xi32, #tpu.memory_space<vmem>> -> memref<16xi32, #tpu.memory_space<vmem>>
      %dma_wait3A_78 = arith.constant 0 : i32
      %dma_wait3A_79 = arith.constant 0 : i32
      %dma_wait3A_80 = tpu.memref_slice %arg11[%dma_wait3A_78, %dma_wait3A_79] : memref<10112x48xf32, #tpu.memory_space<vmem_shared>> -> memref<10112x48xf32, #tpu.memory_space<vmem_shared>>
      tpu.wait_indirect_dma semaphore(%run_scoped3A : memref<!tpu.dma_semaphore, #tpu.memory_space<semaphore_mem>>) src(%dma_wait3A_75 : memref<16x48xf32, #tpu.memory_space<vmem>>) dst(%dma_wait3A_80 : memref<10112x48xf32, #tpu.memory_space<vmem_shared>>)
      tpu.yield
    }) : () -> ()
    %barrier3A_60 = arith.constant 0 : index
    tpu.barrier barrier_id(%barrier3A_60)
    %mul3A_61 = arith.constant 632 : i32
    %mul3A_62 = arith.muli %arg1, %mul3A_61 : i32
    %mul3A_63 = arith.constant 632 : i32
    %mul3A_64 = arith.muli %arg1, %mul3A_63 : i32
    "tpu.region"() ({
      %run_scoped3A = tpu.sem_alloc : memref<!tpu.dma_semaphore, #tpu.memory_space<semaphore_mem>>
      %dma_start3A_65 = arith.constant 0 : i32
      %dma_start3A_66 = tpu.memref_slice %arg5[%arg0, %mul3A_64, %dma_start3A_65] : memref<2x10112x48xf32, #tpu.memory_space<hbm>> -> memref<1x632x48xf32, #tpu.memory_space<hbm>>
      %dma_start3A_67 = tpu.memref_squeeze %dma_start3A_66 : memref<1x632x48xf32, #tpu.memory_space<hbm>> -> memref<632x48xf32, #tpu.memory_space<hbm>>
      %dma_start3A_68 = arith.constant 0 : i32
      %dma_start3A_69 = tpu.memref_slice %arg11[%mul3A_62, %dma_start3A_68] : memref<10112x48xf32, #tpu.memory_space<vmem_shared>> -> memref<632x48xf32, #tpu.memory_space<vmem_shared>>
      tpu.enqueue_dma source(%dma_start3A_69 : memref<632x48xf32, #tpu.memory_space<vmem_shared>>) target(%dma_start3A_67 : memref<632x48xf32, #tpu.memory_space<hbm>>) target_semaphore(%run_scoped3A : memref<!tpu.dma_semaphore, #tpu.memory_space<semaphore_mem>>)
      %dma_wait3A_70 = arith.constant 0 : i32
      %dma_wait3A_71 = tpu.memref_slice %arg5[%arg0, %mul3A_64, %dma_wait3A_70] : memref<2x10112x48xf32, #tpu.memory_space<hbm>> -> memref<1x632x48xf32, #tpu.memory_space<hbm>>
      %dma_wait3A_72 = tpu.memref_squeeze %dma_wait3A_71 : memref<1x632x48xf32, #tpu.memory_space<hbm>> -> memref<632x48xf32, #tpu.memory_space<hbm>>
      %dma_wait3A_73 = arith.constant 0 : i32
      %dma_wait3A_74 = tpu.memref_slice %arg11[%mul3A_62, %dma_wait3A_73] : memref<10112x48xf32, #tpu.memory_space<vmem_shared>> -> memref<632x48xf32, #tpu.memory_space<vmem_shared>>
      tpu.wait_dma2 semaphore(%run_scoped3A : memref<!tpu.dma_semaphore, #tpu.memory_space<semaphore_mem>>) src(%dma_wait3A_74 : memref<632x48xf32, #tpu.memory_space<vmem_shared>>) dst(%dma_wait3A_72 : memref<632x48xf32, #tpu.memory_space<hbm>>)
      tpu.yield
    }) : () -> ()
    return
  }
}

module attributes {stable_mosaic.version = 14 : i64} {
  func.func @_h_body(%arg0: memref<10000x128xf32, #tpu.memory_space<vmem>>, %arg1: memref<128x40xf32, #tpu.memory_space<vmem>>, %arg2: memref<10112x48xf32, #tpu.memory_space<vmem>>) attributes {dimension_semantics = [], scalar_prefetch = 0 : i64, scratch_operands = 0 : i64, tpu.core_type = #tpu.core_type<tc>} {
    %get3A = arith.constant 0 : index
    %get3A_0 = arith.constant 0 : index
    %get3A_1 = vector.load %arg0[%get3A, %get3A_0] : memref<10000x128xf32, #tpu.memory_space<vmem>>, vector<10000x128xf32>
    %get3A_2 = arith.constant 0 : index
    %get3A_3 = arith.constant 0 : index
    %get3A_4 = vector.load %arg1[%get3A_2, %get3A_3] : memref<128x40xf32, #tpu.memory_space<vmem>>, vector<128x40xf32>
    %dot_general3A = arith.constant dense<0.000000e+00> : vector<10000x40xf32>
    %dot_general3A_5 = tpu.matmul %get3A_1, %get3A_4, %dot_general3A {dimension_numbers = #tpu.dot_dimension_numbers<[1], [0], [0], [1], [0, 0, 1, 1], [], []>, transpose_lhs_hint = false} : vector<10000x128xf32>, vector<128x40xf32>, vector<10000x40xf32> -> vector<10000x40xf32>
    %jit3A = arith.constant 0 : i32
    %convert_element_type3A = arith.sitofp %jit3A : i32 to f32
    %pad3A = vector.broadcast %convert_element_type3A : f32 to vector<112x40xf32>
    %pad3A_6 = tpu.concatenate %dot_general3A_5, %pad3A in 0 : vector<10000x40xf32>, vector<112x40xf32> -> vector<10112x40xf32>
    %pad3A_7 = vector.broadcast %convert_element_type3A : f32 to vector<10112x8xf32>
    %pad3A_8 = tpu.concatenate %pad3A_6, %pad3A_7 in 1 : vector<10112x40xf32>, vector<10112x8xf32> -> vector<10112x48xf32>
    %swap3A = arith.constant 0 : index
    %swap3A_9 = arith.constant 0 : index
    %swap3A_10 = vector.load %arg2[%swap3A, %swap3A_9] : memref<10112x48xf32, #tpu.memory_space<vmem>>, vector<10112x48xf32>
    tpu.vector_store %arg2[%swap3A, %swap3A_9], %pad3A_8 {strides = array<i32>} : memref<10112x48xf32, #tpu.memory_space<vmem>>, vector<10112x48xf32>,
    return
  }
}

module attributes {stable_mosaic.version = 14 : i64} {
  func.func @_g_body(%arg0: memref<10112x48xf32, #tpu.memory_space<vmem>>, %arg1: memref<32x10112xf32, #tpu.memory_space<vmem>>, %arg2: memref<10112x48xf32, #tpu.memory_space<vmem>>, %arg3: memref<10112x1xf32, #tpu.memory_space<vmem>>) attributes {dimension_semantics = [], scalar_prefetch = 0 : i64, scratch_operands = 0 : i64, tpu.core_type = #tpu.core_type<tc>} {
    %broadcast_in_dim3A = arith.constant 1.000000e+00 : f32
    %broadcast_in_dim3A_0 = vector.broadcast %broadcast_in_dim3A : f32 to vector<32x1xf32>
    %get3A = arith.constant 0 : index
    %get3A_1 = arith.constant 0 : index
    %get3A_2 = vector.load %arg1[%get3A, %get3A_1] : memref<32x10112xf32, #tpu.memory_space<vmem>>, vector<32x10112xf32>
    %dot_general3A = arith.constant dense<0.000000e+00> : vector<10112x1xf32>
    %dot_general3A_3 = tpu.matmul %get3A_2, %broadcast_in_dim3A_0, %dot_general3A {dimension_numbers = #tpu.dot_dimension_numbers<[0], [0], [1], [1], [0, 1, 1, 1], [], []>, transpose_lhs_hint = false} : vector<32x10112xf32>, vector<32x1xf32>, vector<10112x1xf32> -> vector<10112x1xf32>
    %add3A = arith.constant 1.000000e+00 : f32
    %add3A_4 = vector.broadcast %add3A : f32 to vector<10112x1xf32>
    %add3A_5 = arith.addf %dot_general3A_3, %add3A_4 : vector<10112x1xf32>
    %rsqrt3A = math.rsqrt %add3A_5 : vector<10112x1xf32>
    %swap3A = arith.constant 0 : index
    %swap3A_6 = arith.constant 0 : index
    %swap3A_7 = vector.load %arg3[%swap3A, %swap3A_6] : memref<10112x1xf32, #tpu.memory_space<vmem>>, vector<10112x1xf32>
    tpu.vector_store %arg3[%swap3A, %swap3A_6], %rsqrt3A {strides = array<i32>} : memref<10112x1xf32, #tpu.memory_space<vmem>>, vector<10112x1xf32>,
    %get3A_8 = arith.constant 0 : index
    %get3A_9 = arith.constant 0 : index
    %get3A_10 = vector.load %arg0[%get3A_8, %get3A_9] : memref<10112x48xf32, #tpu.memory_space<vmem>>, vector<10112x48xf32>
    %mul3A = vector.broadcast %rsqrt3A : vector<10112x1xf32> to vector<10112x48xf32>
    %mul3A_11 = arith.mulf %get3A_10, %mul3A : vector<10112x48xf32>
    %swap3A_12 = arith.constant 0 : index
    %swap3A_13 = arith.constant 0 : index
    %swap3A_14 = vector.load %arg2[%swap3A_12, %swap3A_13] : memref<10112x48xf32, #tpu.memory_space<vmem>>, vector<10112x48xf32>
    tpu.vector_store %arg2[%swap3A_12, %swap3A_13], %mul3A_11 {strides = array<i32>} : memref<10112x48xf32, #tpu.memory_space<vmem>>, vector<10112x48xf32>,
    return
  }
}

module attributes {stable_mosaic.version = 14 : i64} {
  func.func @_final_body(%arg0: i32, %arg1: memref<2x1000x48xf32, #tpu.memory_space<vmem>>, %arg2: memref<1000x48xf32, #tpu.memory_space<vmem>>, %arg3: memref<1000x1xf32, #tpu.memory_space<vmem>>, %arg4: memref<1x40xf32, #tpu.memory_space<vmem>>, %arg5: memref<1000x40xf32, #tpu.memory_space<vmem>>) attributes {dimension_semantics = [#tpu.dimension_semantics<arbitrary>], iteration_bounds = array<i64: 10>, scalar_prefetch = 0 : i64, scratch_operands = 0 : i64, tpu.core_type = #tpu.core_type<tc>, window_params = [{transform_indices = @transform_0, window_bounds = array<i64: 2, 1000, 48>}, {transform_indices = @transform_1, window_bounds = array<i64: 1000, 48>}, {transform_indices = @transform_2, window_bounds = array<i64: 1000, 1>}, {pipeline_mode = #tpu.pipeline_mode<synchronous>, transform_indices = @transform_3, window_bounds = array<i64: 1, 40>}, {transform_indices = @transform_4, window_bounds = array<i64: 1000, 40>}]} {
    %get3A = arith.constant 0 : index
    %get3A_0 = arith.constant 0 : index
    %get3A_1 = arith.constant 0 : index
    %get3A_2 = vector.load %arg1[%get3A, %get3A_0, %get3A_1] : memref<2x1000x48xf32, #tpu.memory_space<vmem>>, vector<1x1000x48xf32>
    %get3A_3 = vector.shape_cast %get3A_2 : vector<1x1000x48xf32> to vector<1000x48xf32>
    %get3A_4 = arith.constant 1 : index
    %get3A_5 = arith.constant 0 : index
    %get3A_6 = arith.constant 0 : index
    %get3A_7 = vector.load %arg1[%get3A_4, %get3A_5, %get3A_6] : memref<2x1000x48xf32, #tpu.memory_space<vmem>>, vector<1x1000x48xf32>
    %get3A_8 = vector.shape_cast %get3A_7 : vector<1x1000x48xf32> to vector<1000x48xf32>
    %add3A = arith.addf %get3A_3, %get3A_8 : vector<1000x48xf32>
    %get3A_9 = arith.constant 0 : index
    %get3A_10 = arith.constant 0 : index
    %get3A_11 = vector.load %arg2[%get3A_9, %get3A_10] : memref<1000x48xf32, #tpu.memory_space<vmem>>, vector<1000x48xf32>
    %add3A_12 = arith.addf %add3A, %get3A_11 : vector<1000x48xf32>
    %slice3A = vector.extract_strided_slice %add3A_12 {offsets = [0, 0], sizes = [1000, 40], strides = [1, 1]} : vector<1000x48xf32> to vector<1000x40xf32>
    %get3A_13 = arith.constant 0 : index
    %get3A_14 = arith.constant 0 : index
    %get3A_15 = vector.load %arg3[%get3A_13, %get3A_14] : memref<1000x1xf32, #tpu.memory_space<vmem>>, vector<1000x1xf32>
    %mul3A = vector.broadcast %get3A_15 : vector<1000x1xf32> to vector<1000x40xf32>
    %mul3A_16 = arith.mulf %slice3A, %mul3A : vector<1000x40xf32>
    %get3A_17 = arith.constant 0 : index
    %get3A_18 = arith.constant 0 : index
    %get3A_19 = vector.load %arg4[%get3A_17, %get3A_18] : memref<1x40xf32, #tpu.memory_space<vmem>>, vector<1x40xf32>
    %add3A_20 = vector.broadcast %get3A_19 : vector<1x40xf32> to vector<1000x40xf32>
    %add3A_21 = arith.addf %mul3A_16, %add3A_20 : vector<1000x40xf32>
    %reduce_max3A = arith.constant dense<0xFF800000> : vector<1000xf32>
    %reduce_max3A_22 = vector.multi_reduction <maximumf>, %add3A_21, %reduce_max3A [1] : vector<1000x40xf32> to vector<1000xf32>
    %broadcast_in_dim3A = vector.shape_cast %reduce_max3A_22 : vector<1000xf32> to vector<1000x1xf32>
    %sub3A = vector.broadcast %broadcast_in_dim3A : vector<1000x1xf32> to vector<1000x40xf32>
    %sub3A_23 = arith.subf %add3A_21, %sub3A : vector<1000x40xf32>
    %exp3A = math.exp %sub3A_23 : vector<1000x40xf32>
    %reduce_sum3A = arith.constant dense<0.000000e+00> : vector<1000xf32>
    %reduce_sum3A_24 = vector.multi_reduction <add>, %exp3A, %reduce_sum3A [1] : vector<1000x40xf32> to vector<1000xf32>
    %broadcast_in_dim3A_25 = vector.shape_cast %reduce_sum3A_24 : vector<1000xf32> to vector<1000x1xf32>
    %log3A = math.log %broadcast_in_dim3A_25 : vector<1000x1xf32>
    %sub3A_26 = vector.broadcast %broadcast_in_dim3A : vector<1000x1xf32> to vector<1000x40xf32>
    %sub3A_27 = arith.subf %add3A_21, %sub3A_26 : vector<1000x40xf32>
    %sub3A_28 = vector.broadcast %log3A : vector<1000x1xf32> to vector<1000x40xf32>
    %sub3A_29 = arith.subf %sub3A_27, %sub3A_28 : vector<1000x40xf32>
    %swap3A = arith.constant 0 : index
    %swap3A_30 = arith.constant 0 : index
    %swap3A_31 = vector.load %arg5[%swap3A, %swap3A_30] : memref<1000x40xf32, #tpu.memory_space<vmem>>, vector<1000x40xf32>
    tpu.vector_store %arg5[%swap3A, %swap3A_30], %sub3A_29 {strides = array<i32>} : memref<1000x40xf32, #tpu.memory_space<vmem>>, vector<1000x40xf32>,
    return
  }
  func.func @transform_0(%arg0: i32) -> (i32, i32, i32) {
    %c0_i32 = arith.constant 0 : i32
    %c0_i32_0 = arith.constant 0 : i32
    %c0_i32_1 = arith.constant 0 : i32
    return %c0_i32, %arg0, %c0_i32_0 : i32, i32, i32
  }
  func.func @transform_1(%arg0: i32) -> (i32, i32) {
    %c0_i32 = arith.constant 0 : i32
    %c0_i32_0 = arith.constant 0 : i32
    return %arg0, %c0_i32 : i32, i32
  }
  func.func @transform_2(%arg0: i32) -> (i32, i32) {
    %c0_i32 = arith.constant 0 : i32
    %c0_i32_0 = arith.constant 0 : i32
    return %arg0, %c0_i32 : i32, i32
  }
  func.func @transform_3(%arg0: i32) -> (i32, i32) {
    %c0_i32 = arith.constant 0 : i32
    %c0_i32_0 = arith.constant 0 : i32
    %c0_i32_1 = arith.constant 0 : i32
    return %c0_i32, %c0_i32_0 : i32, i32
  }
  func.func @transform_4(%arg0: i32) -> (i32, i32) {
    %c0_i32 = arith.constant 0 : i32
    %c0_i32_0 = arith.constant 0 : i32
    return %arg0, %c0_i32 : i32, i32
  }
}

</mosaic_0001>

<sc_bundles>
// kernel: kernel.10.cloned.1.call-start
scs
__scs_entry_jumppad:
0x0: {  	(pc) =	sbr.rel $0x88, $3  }
0x1: {  	(tag) =	ssettag $0x0;
	lr =	simm.s32 $0x1  }
0x2: {  	[smem:$0x3F9D] =	sst lr;
	_ =	strace $0xD0000000  }
0x3: {  	_ = 	snop  }
0x4: {  	_ = 	snop  }
0x5: {  	_ = 	snop  }
0x6: {  	_ = 	snop  }
0x7: {  	_ = 	snop  }
__scs_overlays_trampoline_lowered:
0x8: {  	[smem:$0x3FAC] =	sst s0  }
0x9: {  	[smem:$0x3FAD] =	sst s1  }
0xa: {  	[smem:$0x3FAE] =	sst s2  }
0xb: {  	[smem:$0x3FAF] =	sst s3  }
0xc: {  	[smem:$0x3FB0] =	sst s4  }
0xd: {  	[smem:$0x3FB1] =	sst s5  }
0xe: {  	[smem:$0x3FB2] =	sst s6  }
0xf: {  	[smem:$0x3FB3] =	sst s7  }
0x10: {  	[smem:$0x3FB4] =	sst s8  }
0x11: {  	[smem:$0x3FB5] =	sst s9;
	s0 =	simm.s32 @!p0 $0x0  }
0x12: {  	s1 =	sld [smem:$0x3F9B];
	s0 =	simm.s32 @p0 $0x1  }
0x13: {  	[smem:$0x3FB6] =	sst s0;
	s0 =	simm.s32 @!p1 $0x0  }
0x14: {  	s2 =	sld [smem:$0x3F9A];
	s0 =	simm.s32 @p1 $0x1  }
0x15: {  	[smem:$0x3FB7] =	sst s0;
	s0 =	simm.s32 @!p2 $0x0  }
0x16: {  	s3 =	sld [smem:$0x3FDB];
	s0 =	simm.s32 @p2 $0x1  }
0x17: {  	s4 =	simm.s32 $0x1BF5;
	[smem:$0x3FB9] =	sst s0  }
0x18: {  	s0 =	sld [smem:$0x3F9C];
	_ =	swait.ge [sflag:s4], $0x0  }
0x19: {  	s7 =	sld [smem:$0x3F9D]  }
0x1a: {  	s8 =	sadd.s32 $0xFFFFE003, lr  }
0x1b: {  	s9 =	sadd.s32 $0xFFFFFEF7, lr;
	s5 =	simm.s32 $0xFFFFFFFF;
	p2 =	slt.u32 s8, $0xFFFFF086  }
0x1c: {  	p1 =	slt.u32 s9, $0xF7A;
	s5 =	simm.s32 @!p2 $0x0  }
0x1d: {  	s5 =	simm.s32 @p1 $0x1;
	p0 =	seq.s32 s7, s2  }
0x1e: {  	s7 =	smul.u32 @!p0 $0xF7A, s2;
	p2 =	seq.s32 @!p0 s5, $0x0  }
0x1f: {  	s9 =	smul.u32 $0xF7A, s1;
	s8 =	simm.s32 @!p0 $0x1BF5;
	p2 =	por !p2, p0  }
0x20: {  	[sflag:s8] =	ssyncset.s32 @!p0 $0xFFFFF086;
	s6 =	sadd.s32 @!p0 s3, s7;
	s7 =	simm.s32 @!p0 $0x108  }
0x21: {  	s3 =	sadd.s32 s3, s9;
	s6 =	sadd.s32 @!p0 $0x88, s6;
	s7 =	simm.s32 @p2 $0x1082  }
0x22: {  	[simem:s7], [sflag:s8] =	dma.local @!p0 [hbm:s6], $0xF7A  }
0x23: {  	s9 =	sor.u32 $0xD0000000, s2;
	s6 =	simm.s32 $0x108;
	_ =	swait.ge @!p0 [sflag:s8], $0x0  }
0x24: {  	s3 =	sadd.s32 $0x88, s3;
	s6 =	simm.s32 @!p1 $0x1082;
	[sflag:s4] =	ssyncset.s32 $0xFFFFF086  }
0x25: {  	[simem:s6], [sflag:s4] =	dma.local [hbm:s3], $0xF7A  }
0x26: {  	[smem:$0x3F9D] =	sst s1;
	(tag) =	ssettag s2;
	_ =	strace s9  }
0x27: {  	s1 =	sld [smem:$0x3FAD]  }
0x28: {  	s2 =	sld [smem:$0x3FAE]  }
0x29: {  	s4 =	sld [smem:$0x3FB0]  }
0x2a: {  	p0 =	seq.s32 s5, $0x0;
	s5 =	sld [smem:$0x3FB1]  }
0x2b: {  	s6 =	sld [smem:$0x3FB2]  }
0x2c: {  	s7 =	sld [smem:$0x3FB3]  }
0x2d: {  	s3 =	simm.s32 $0x108;
	s8 =	sld [smem:$0x3FB4]  }
0x2e: {  	s3 =	simm.s32 @!p0 $0x1082;
	s9 =	sld [smem:$0x3FB5]  }
0x2f: {  	lr =	sadd.s32 s0, s3;
	s0 =	sld [smem:$0x3FAC]  }
0x30: {  	s3 =	sld [smem:$0x3FAF]  }
0x31: {  	[smem:$0x3FB8] =	sst s10  }
0x32: {  	s10 =	sld [smem:$0x3FB6];
	_ =	sdelay $0x3  }
0x33: {  	p0 =	seq.s32 s10, $0x1;
	s10 =	sld [smem:$0x3FB8];
	_ =	sdelay $0x3  }
0x34: {  	[smem:$0x3FB8] =	sst s10  }
0x35: {  	s10 =	sld [smem:$0x3FB7];
	_ =	sdelay $0x3  }
0x36: {  	p1 =	seq.s32 s10, $0x1;
	s10 =	sld [smem:$0x3FB8];
	_ =	sdelay $0x3  }
0x37: {  	[smem:$0x3FB8] =	sst s10  }
0x38: {  	s10 =	sld [smem:$0x3FB9]  }
0x39: {  	_ = 	snop;
	(pc) =	sbr.ind lr, $3  }
0x3a: {  	_ = 	snop  }
0x3b: {  	_ = 	snop  }
0x3c: {  	p2 =	seq.s32 s10, $0x1;
	s10 =	sld [smem:$0x3FB8]  }
0x3d: {  	_ =	shalt  }
0x3e: {  	_ =	shalt  }
0x3f: {  	_ =	shalt  }
0x40: {  	_ =	shalt  }
0x41: {  	_ =	shalt  }
0x42: {  	_ =	shalt  }
0x43: {  	_ =	shalt  }
0x44: {  	_ =	shalt  }
0x45: {  	_ =	shalt  }
0x46: {  	_ =	shalt  }
0x47: {  	_ =	shalt  }
0x48: {  	_ =	shalt  }
0x49: {  	_ =	shalt  }
0x4a: {  	_ =	shalt  }
0x4b: {  	_ =	shalt  }
0x4c: {  	_ =	shalt  }
0x4d: {  	_ =	shalt  }
0x4e: {  	_ =	shalt  }
0x4f: {  	_ =	shalt  }
0x50: {  	_ =	shalt  }
0x51: {  	_ =	shalt  }
0x52: {  	_ =	shalt  }
0x53: {  	_ =	shalt  }
0x54: {  	_ =	shalt  }
0x55: {  	_ =	shalt  }
0x56: {  	_ =	shalt  }
0x57: {  	_ =	shalt  }
0x58: {  	_ =	shalt  }
0x59: {  	_ =	shalt  }
0x5a: {  	_ =	shalt  }
0x5b: {  	_ =	shalt  }
0x5c: {  	_ =	shalt  }
0x5d: {  	_ =	shalt  }
0x5e: {  	_ =	shalt  }
0x5f: {  	_ =	shalt  }
0x60: {  	_ =	shalt  }
0x61: {  	_ =	shalt  }
0x62: {  	_ =	shalt  }
0x63: {  	_ =	shalt  }
0x64: {  	_ =	shalt  }
0x65: {  	_ =	shalt  }
0x66: {  	_ =	shalt  }
0x67: {  	_ =	shalt  }
0x68: {  	_ =	shalt  }
0x69: {  	_ =	shalt  }
0x6a: {  	_ =	shalt  }
0x6b: {  	_ =	shalt  }
0x6c: {  	_ =	shalt  }
0x6d: {  	_ =	shalt  }
0x6e: {  	_ =	shalt  }
0x6f: {  	_ =	shalt  }
0x70: {  	_ =	shalt  }
0x71: {  	_ =	shalt  }
0x72: {  	_ =	shalt  }
0x73: {  	_ =	shalt  }
0x74: {  	_ =	shalt  }
0x75: {  	_ =	shalt  }
0x76: {  	_ =	shalt  }
0x77: {  	_ =	shalt  }
0x78: {  	_ =	shalt  }
0x79: {  	_ =	shalt  }
0x7a: {  	_ =	shalt  }
0x7b: {  	_ =	shalt  }
0x7c: {  	_ =	shalt  }
0x7d: {  	_ =	shalt  }
0x7e: {  	_ =	shalt  }
0x7f: {  	_ =	shalt  }
0x80: {  	_ =	shalt  }
0x81: {  	_ =	shalt  }
0x82: {  	_ =	shalt  }
0x83: {  	_ =	shalt  }
0x84: {  	_ =	shalt  }
0x85: {  	_ =	shalt  }
0x86: {  	_ =	shalt  }
0x87: {  	_ =	shalt  }
.Lfunc_end0:
.L_simem_size_0:
called_computation.1_lowered:
.L_overlay_start_0:
0x88: {  	s2 =	sld [smem:$0x3FD9]  }
0x89: {  	s3 =	sld [smem:$0x3FFE];
	_ =	sdelay $0x1  }
0x8a: {  	s1 =	srdreg.scid  }
0x8b: {  	s0 =	sand.u32 $0x1, s1  }
0x8c: {  	s16 =	sshll.u32 s0, $0xA;
	s2 =	sadd.s32 s3, s2  }
0x8d: {  	s2 =	sadd.s32 s2, s16  }
0x8e: {  	[smem:$0x3FC4] =	sst s2  }
0x8f: {  	_ = 	snop  }
0x90: {  	(tm) =	ssettm $0x1  }
0x91: {  	s17 =	sld [smem:$0x3FFB];
	_ =	sdelay $0x3  }
0x92: {  	_ =	strace s17  }
0x93: {  	s2 =	sld [smem:$0x3FFC];
	_ =	sdelay $0x3  }
0x94: {  	_ =	strace s2  }
0x95: {  	s2 =	sld [smem:$0x3FFD];
	_ =	sdelay $0x3  }
0x96: {  	_ =	strace s2  }
0x97: {  	_ =	strace $0x8FFFFFFF  }
0x98: {  	s18 =	sld [smem:$0x3FDB];
	_ =	sdelay $0x1  }
0x99: {  	s19 =	simm.s32 $_scs_section_size  }
0x9a: {  	s4 =	simm.s32 $_size__tile_overlayer_lowered;
	s5 =	simm.s32 $_tile_overlayer_lowered  }
0x9b: {  	s22 =	simm.s32 $0x1BFF;
	s21 =	sshll.u32 s5, $0x1;
	s2 =	sadd.s32 s19, s18  }
0x9c: {  	s6 =	simm.s32 $0x0;
	s20 =	sshll.u32 s4, $0x1;
	s4 =	sadd.s32 s21, s2  }
0x9d: {  	[timem:s6], [sflag:s22] =	dma.local [hbm:s4], s20  }
0x9e: {  	_ =	swait.ge [sflag:s22], s20  }
0x9f: {  	s3 =	ssub.s32 $0x0, s20;
	[sflag:s22] =	ssyncset.done $0x0  }
0xa0: {  	[sflag:s22] =	ssyncadd.s32 s3;
	_ =	sdelay $0x1  }
0xa1: {  	s23 =	simm.s32 $0x1B8B  }
0xa2: {  	_ =	swait.ge [sflag:s23], $0x1  }
0xa3: {  	[sflag:s23] =	ssyncset.done $0x0  }
0xa4: {  	s25 =	simm.s32 $0x1B8E;
	s24 =	sld [smem:$0x3FFE];
	[sflag:s23] =	ssyncadd.s32 $0xFFFFFFFF  }
0xa5: {  	s26 =	simm.s32 $execute0_lowered;
	[smem:$0x3FD2] =	sst s25  }
0xa6: {  	s4 =	sshll.u32 s26, $0x1;
	_ =	strace $0x80000049;
	[dreg:$0x1] =	wrdreg $0xFFFFFFFF  }
0xa7: {  	s28 =	simm.s32 $_size_execute0_lowered;
	s2 =	sadd.s32 s2, s4;
	[dreg:$0x0] =	wrdreg $0x0  }
0xa8: {  	s4 =	sshll.u32 s28, $0x1;
	[dreg:$0x2] =	wrdreg s2  }
0xa9: {  	[dreg:$0x3] =	wrdreg s4  }
0xaa: {  	[dreg:$0x4] =	wrdreg $0xC0  }
0xab: {  	_ =	task [dreg:s6], $0x5FFFF  }
0xac: {  	[dreg:$0x1] =	wrdreg $0xFFFFFFFF  }
0xad: {  	[dreg:$0x0] =	wrdreg $0x60  }
0xae: {  	[dreg:$0x2] =	wrdreg s24  }
0xaf: {  	[dreg:$0x3] =	wrdreg $0xF4A00  }
0xb0: {  	[dreg:$0x4] =	wrdreg $0x7E200  }
0xb1: {  	[dreg:$0x5] =	wrdreg $0x9  }
0xb2: {  	_ =	task.clear_ibuf [dreg:s6], $0x6FFFF;
	_ =	strace $0x90000049  }
0xb3: {  	s29 =	simm.s32 $0x9;
	_ =	strace $0x8000004B  }
0xb4: {  	_ =	swait.ge [sflag:s29], $0x1  }
0xb5: {  	[sflag:s29] =	ssyncadd.s32 $0xFFFFFFFF  }
0xb6: {  	_ =	strace $0x9000004B  }
0xb7: {  	_ =	sfence  }
0xb8: {  	s30 =	sld [smem:$0x0];
	_ =	sdelay $0x2  }
0xb9: {  	s31 =	sshll.u32 s1, $0xD;
	s1 =	sshrl.u32 s1, $0x2  }
0xba: {  	s3 =	sand.u32 $0x4000, s31;
	s1 =	sadd.s32 s1, s30  }
0xbb: {  	s0 =	sor.u32 s3, s0;
	s1 =	sshll.u32 s1, $0x11  }
0xbc: {  	s0 =	sor.u32 s1, s0  }
0xbd: {  	s0 =	sadd.s32 $0x8F2B, s0  }
0xbe: {  	[sflag:s0] =	ssyncadd.remote.s32 $0x1  }
0xbf: {  	_ =	sfence.sel $0xFFFF  }
0xc0: {  	[dreg:$0x0] =	wrdreg $0xFFFFFFFF;
	(pc) =	sbr.abs _section_cstart, $3  }
0xc1: {  	[dreg:$0x1] =	wrdreg $0xFFFFFFFF  }
0xc2: {  	_ =	task.clear_ibuf [dreg:s6], $0x2FFFF;
	_ =	strace $0x9FFFFFFF  }
0xc3: {  	(tm) =	ssettm $0x7FFFFFFF  }
tec
execute0_lowered:
.L_overlay_start_1:
0x0: {  	(tag) =	ssettag $0x1  }
0x1: {  	s5 =	rddreg [dreg:$0x0]  }
0x2: {  	s2 =	rddreg [dreg:$0x1]  }
0x3: {  	s3 =	rddreg [dreg:$0x2]  }
0x4: {  	s1 =	stileid.u32;
	s4 =	srdreg.scid  }
0x5: {  	s16 =	simm.s32 $0x2710;
	s17 =	simm.s32 $0x1;
	s18 =	simm.s32 $0x2  }
0x6: {  	s19 =	simm.s32 $0x80;
	s20 =	simm.s32 $0x4E20;
	s21 =	simm.s32 $0x6620  }
0x7: {  	s22 =	simm.s32 $0x3;
	s23 =	simm.s32 $0x4D10;
	s24 =	simm.s32 $0x4D90  }
0x8: {  	s25 =	simm.s32 $0x10;
	s26 =	simm.s32 $0x2700;
	s28 =	simm.s32 $0x4E10  }
0x9: {  	s29 =	simm.s32 $0x0;
	s6 =	sand.u32 $0x1, s4;
	s7 =	sshll.u32 s1, $0x1  }
0xa: {  	s8 =	smul.u32 $0x7680, s1;
	s4 =	simm.s32 $0x0;
	s7 =	sor.u32 s6, s7  }
0xb: {  	s9 =	smul.u32 $0x76800, s6;
	[smem:$0x7FF] =	sst s4;
	s6 =	ssub.s32 $0x2, s6  }
0xc: {  	s10 =	sshrl.u32 s8, $0x3;
	s7 =	smul.u32 $0x2710, s7;
	_ =	strace $0x8000004A  }
0xd: {  	s31 =	sshrl.u32 s6, $0x1;
	s14 =	sadd.s32 s8, s2;
	s15 =	sadd.s32 s8, s3  }
0xe: {  	s10 =	sadd.s32 s10, s5;
	s9 =	sadd.s32 s8, s9;
	s13 =	ssub.s32 s6, s31  }
0xf: {  	s15 =	sshrl.u32 s15, $0x3;
	s7 =	sshrl.u32 s7, $0x3;
	s9 =	sshrl.u32 s9, $0x3  }
0x10: {  	s11 =	sadd.s32 s7, s5;
	s12 =	sadd.s32 s9, s5;
	s5 =	sshll.u32 s1, $0x6  }
0x11: {  	s6 =	sadd.s32 $0x23E00, s10;
	s8 =	sadd.s32 $0x15000, s10;
	s7 =	sor.u32 $0x1C01, s5  }
0x12: {  	s9 =	sadd.s32 $0x1600, s11;
	s10 =	sadd.s32 $0xB240, s11;
	s11 =	sadd.s32 $0x32C00, s12  }
0x13: {  	s12 =	smax.u32 s13, $0x1;
	s13 =	sshrl.u32 s14, $0x3;
	s14 =	sor.u32 $0x1C02, s5  }
.LBB2_1:
0x14: {  	[spmem:s13], [sflag:s7] =	dma.local [hbm:s6], $0xED0  }
0x15: {  	[spmem:s15], [sflag:s14] =	dma.local [hbm:s8], $0xED0  }
0x16: {  	[tilespmem:s4], [sflag:$0x1] =	stream.linear.gather [hbm4b:s9+s4], $0x2710, $0x38;
	[tilespmem:$0x16B20] =	vst v63  }
0x17: {  	_ = 	snop  }
0x18: {  	[tilespmem:s16], [sflag:$0x2] =	stream.linear.gather [hbm4b:s10+s4], $0x2710, $0x38;
	[tilespmem:$0x16B20] =	vst v63  }
0x19: {  	_ =	swait.ge [sflag:s17], $0xED0  }
0x1a: {  	[sflag:s17] =	ssyncset.done $0x0  }
0x1b: {  	[sflag:s17] =	ssyncadd.s32 $0xFFFFF130  }
0x1c: {  	_ =	swait.ge [sflag:s18], $0xED0  }
0x1d: {  	[sflag:s18] =	ssyncset.done $0x0  }
0x1e: {  	[sflag:s18] =	ssyncadd.s32 $0xFFFFF130  }
0x1f: {  	_ =	swait.ge [sflag:s17], $0x2710  }
0x20: {  	[sflag:s17] =	ssyncset.done $0x0  }
0x21: {  	[sflag:s17] =	ssyncadd.s32 $0xFFFFD8F0  }
0x22: {  	_ =	swait.ge [sflag:s18], $0x2710  }
0x23: {  	[sflag:s18] =	ssyncset.done $0x0  }
0x24: {  	[sflag:s18] =	ssyncadd.s32 $0xFFFFD8F0  }
0x25: {  	[bflag:$0x0] =	sbarrier.arrive $0xFFFF  }
0x26: {  	[tilespmem:s20], [sflag:$0x1] =	stream.indirect.gather [spmem:s3], $0x30, s4, s19, $0xb8;
	[tilespmem:$0x16B20] =	vst v63  }
0x27: {  	_ = 	snop  }
0x28: {  	[tilespmem:s21], [sflag:$0x2] =	stream.indirect.gather [spmem:s3], $0x30, s19, s19, $0xb8;
	[tilespmem:$0x16B20] =	vst v63  }
0x29: {  	_ =	swait.ge [sflag:s17], $0x1800  }
0x2a: {  	[sflag:s17] =	ssyncset.done $0x0  }
0x2b: {  	s30 =	simm.s32 $0x2710;
	[sflag:s17] =	ssyncadd.s32 $0xFFFFE800  }
0x2c: {  	[spmem:s2] =	stream.indirect.scatter.add.f32 [tilespmem:s20], [sflag:$0x3], $0x30, s30, s19, $0xb8;
	[tilespmem:$0x16B20] =	vst v63  }
0x2d: {  	_ =	swait.ge [sflag:s22], $0x1800  }
0x2e: {  	[sflag:s22] =	ssyncset.done $0x0  }
0x2f: {  	s30 =	simm.s32 $0x100;
	[sflag:s22] =	ssyncadd.s32 $0xFFFFE800  }
0x30: {  	[tilespmem:s20], [sflag:$0x1] =	stream.indirect.gather [spmem:s3], $0x30, s30, s19, $0xb8;
	[tilespmem:$0x16B20] =	vst v63  }
0x31: {  	_ =	swait.ge [sflag:s18], $0x1800  }
0x32: {  	[sflag:s18] =	ssyncset.done $0x0  }
0x33: {  	s30 =	simm.s32 $0x2790;
	[sflag:s18] =	ssyncadd.s32 $0xFFFFE800  }
0x34: {  	[spmem:s2] =	stream.indirect.scatter.add.f32 [tilespmem:s21], [sflag:$0x3], $0x30, s30, s19, $0xb8;
	[tilespmem:$0x16B20] =	vst v63  }
0x35: {  	_ =	swait.ge [sflag:s22], $0x1800  }
0x36: {  	[sflag:s22] =	ssyncset.done $0x0  }
0x37: {  	s31 =	simm.s32 $0x180;
	s30 =	simm.s32 $0x400;
	[sflag:s22] =	ssyncadd.s32 $0xFFFFE800  }
.LBB2_2:
0x38: {  	[tilespmem:s21], [sflag:$0x2] =	stream.indirect.gather [spmem:s3], $0x30, s31, s19, $0xb8;
	[tilespmem:$0x16B20] =	vst v63  }
0x39: {  	s31 =	smov.u32 s30  }
0x3a: {  	p0 =	sne.s32 s30, $0x9400;
	s30 =	sadd.s32 $0x400, s30;
	_ =	swait.ge [sflag:s17], $0x1800  }
0x3b: {  	s31 =	sshra.s32 s31, $0x2;
	[sflag:s17] =	ssyncset.done $0x0  }
0x3c: {  	s0 =	sadd.s32 $0x2710, s31;
	[sflag:s17] =	ssyncadd.s32 $0xFFFFE800  }
0x3d: {  	[spmem:s2] =	stream.indirect.scatter.add.f32 [tilespmem:s20], [sflag:$0x3], $0x30, s0, s19, $0xb8;
	[tilespmem:$0x16B20] =	vst v63  }
0x3e: {  	_ =	swait.ge [sflag:s22], $0x1800  }
0x3f: {  	[sflag:s22] =	ssyncset.done $0x0  }
0x40: {  	s0 =	sadd.s32 $0x100, s31;
	[sflag:s22] =	ssyncadd.s32 $0xFFFFE800  }
0x41: {  	[tilespmem:s20], [sflag:$0x1] =	stream.indirect.gather [spmem:s3], $0x30, s0, s19, $0xb8;
	[tilespmem:$0x16B20] =	vst v63  }
0x42: {  	_ =	swait.ge [sflag:s18], $0x1800  }
0x43: {  	[sflag:s18] =	ssyncset.done $0x0  }
.Ltmp0:
0x44: {  	s0 =	sadd.s32 $0x2790, s31;
	[sflag:s18] =	ssyncadd.s32 $0xFFFFE800;
	(pc) =	sbr.rel @p0 .LBB2_2-.Ltmp0, $4  }
0x45: {  	[spmem:s2] =	stream.indirect.scatter.add.f32 [tilespmem:s21], [sflag:$0x3], $0x30, s0, s19, $0xb8;
	[tilespmem:$0x16B20] =	vst v63  }
0x46: {  	_ =	swait.ge [sflag:s22], $0x1800  }
0x47: {  	[sflag:s22] =	ssyncset.done $0x0  }
0x48: {  	s31 =	sadd.s32 $0x180, s31;
	[sflag:s22] =	ssyncadd.s32 $0xFFFFE800  }
0x49: {  	[tilespmem:s21], [sflag:$0x2] =	stream.indirect.gather [spmem:s3], $0x30, s31, s19, $0xb8;
	[tilespmem:$0x16B20] =	vst v63  }
0x4a: {  	_ =	swait.ge [sflag:s17], $0x1800  }
0x4b: {  	[sflag:s17] =	ssyncset.done $0x0  }
0x4c: {  	[sflag:s17] =	ssyncadd.s32 $0xFFFFE800  }
0x4d: {  	[spmem:s2] =	stream.indirect.scatter.add.f32 [tilespmem:s20], [sflag:$0x3], $0x30, s23, s19, $0xb8;
	[tilespmem:$0x16B20] =	vst v63  }
0x4e: {  	_ =	swait.ge [sflag:s22], $0x1800  }
0x4f: {  	[sflag:s22] =	ssyncset.done $0x0  }
0x50: {  	[sflag:s22] =	ssyncadd.s32 $0xFFFFE800  }
0x51: {  	_ =	swait.ge [sflag:s18], $0x1800  }
0x52: {  	[sflag:s18] =	ssyncset.done $0x0  }
0x53: {  	[sflag:s18] =	ssyncadd.s32 $0xFFFFE800  }
0x54: {  	[spmem:s2] =	stream.indirect.scatter.add.f32 [tilespmem:s21], [sflag:$0x3], $0x30, s24, s19, $0xb8;
	[tilespmem:$0x16B20] =	vst v63  }
0x55: {  	_ =	swait.ge [sflag:s22], $0x1800  }
0x56: {  	[sflag:s22] =	ssyncset.done $0x0  }
0x57: {  	[sflag:s22] =	ssyncadd.s32 $0xFFFFE800  }
0x58: {  	[tilespmem:s20], [sflag:$0x3] =	stream.indirect.gather [spmem:s3], $0x30, s26, s25, $0xb8;
	[tilespmem:$0x16B20] =	vst v63  }
0x59: {  	_ =	swait.ge [sflag:s22], $0x300  }
0x5a: {  	[sflag:s22] =	ssyncset.done $0x0  }
0x5b: {  	[sflag:s22] =	ssyncadd.s32 $0xFFFFFD00  }
0x5c: {  	[spmem:s2] =	stream.indirect.scatter.add.f32 [tilespmem:s20], [sflag:$0x3], $0x30, s28, s25, $0xb8;
	[tilespmem:$0x16B20] =	vst v63  }
0x5d: {  	_ =	swait.ge [sflag:s22], $0x300  }
0x5e: {  	s29 =	sadd.s32 $0x1, s29;
	[sflag:s22] =	ssyncset.done $0x0  }
0x5f: {  	p0 =	sne.s32 s29, s12;
	[sflag:s22] =	ssyncadd.s32 $0xFFFFFD00  }
.Ltmp1:
0x60: {  	s0 =	sor.u32 $0x1C03, s5;
	[bflag:$0x0] =	sbarrier.arrive $0xFFFF;
	(pc) =	sbr.rel @p0 .LBB2_1-.Ltmp1, $4  }
0x61: {  	[hbm:s11], [sflag:s0] =	dma.local [spmem:s13], $0xED0  }
0x62: {  	_ =	swait.ge [sflag:s22], $0xED0  }
0x63: {  	[sflag:s22] =	ssyncset.done $0x0  }
0x64: {  	[sflag:s22] =	ssyncadd.s32 $0xFFFFF130  }
0x65: {  	_ =	sfence.sel $0x180000  }
0x66: {  	[bflag:$0x0] =	sbarrier.arrive $0xFFFF  }
0x67: {  	_ =	strace $0x9000004A  }
0x68: {  	[bflag:$0x2] =	sbarrier.arrive $0xFFFF  }
0x69: {  	p0 =	sne.s32 s1, $0x0;
	s0 =	rddreg [dreg:$0x3]  }
0x6a: {  	s0 =	sadd.s32 @!p0 $0x100000, s0  }
0x6b: {  	[sflag:s0] =	ssyncadd.tile.s32 @!p0 $0x1;
	_ =	shalt  }
.Lfunc_end2:
_tile_overlayer_lowered:
.L_overlay_start_2:
0x6c: {  	(tag) =	ssettag $0x2  }
0x6d: {  	s0 =	rddreg [dreg:$0x0];
	s2 =	stileid.u32  }
0x6e: {  	s1 =	rddreg [dreg:$0x1];
	p0 =	sne.s32 s2, $0x0  }
0x6f: {  	s3 =	rddreg [dreg:$0x2];
	[bflag:$0x3] =	sbarrier.arrive $0xFFFF;
	s2 =	simm.s32 @!p0 $0x1C03  }
0x70: {  	[timem:s3], [sflag:s2] =	dma.local @!p0 [hbm:s0], s1  }
0x71: {  	s0 =	simm.s32 @!p0 $0x3  }
0x72: {  	_ =	swait.ge @!p0 [sflag:s0], s1  }
0x73: {  	s1 =	ssub.s32 @!p0 $0x0, s1;
	[sflag:s0] =	ssyncset.done @!p0 $0x0  }
0x74: {  	[sflag:s0] =	ssyncadd.s32 @!p0 s1  }
0x75: {  	[bflag:$0x3] =	sbarrier.arrive $0xFFFF  }
0x76: {  	_ =	shalt  }

// kernel: kernel.7.cloned.1.call-start
scs
__scs_entry_jumppad:
0x0: {  	(pc) =	sbr.rel $0x88, $3  }
0x1: {  	(tag) =	ssettag $0x0;
	lr =	simm.s32 $0x1  }
0x2: {  	[smem:$0x3F9D] =	sst lr;
	_ =	strace $0xD0000000  }
0x3: {  	_ = 	snop  }
0x4: {  	_ = 	snop  }
0x5: {  	_ = 	snop  }
0x6: {  	_ = 	snop  }
0x7: {  	_ = 	snop  }
__scs_overlays_trampoline_lowered:
0x8: {  	[smem:$0x3FAC] =	sst s0  }
0x9: {  	[smem:$0x3FAD] =	sst s1  }
0xa: {  	[smem:$0x3FAE] =	sst s2  }
0xb: {  	[smem:$0x3FAF] =	sst s3  }
0xc: {  	[smem:$0x3FB0] =	sst s4  }
0xd: {  	[smem:$0x3FB1] =	sst s5  }
0xe: {  	[smem:$0x3FB2] =	sst s6  }
0xf: {  	[smem:$0x3FB3] =	sst s7  }
0x10: {  	[smem:$0x3FB4] =	sst s8  }
0x11: {  	[smem:$0x3FB5] =	sst s9;
	s0 =	simm.s32 @!p0 $0x0  }
0x12: {  	s1 =	sld [smem:$0x3F9B];
	s0 =	simm.s32 @p0 $0x1  }
0x13: {  	[smem:$0x3FB6] =	sst s0;
	s0 =	simm.s32 @!p1 $0x0  }
0x14: {  	s2 =	sld [smem:$0x3F9A];
	s0 =	simm.s32 @p1 $0x1  }
0x15: {  	[smem:$0x3FB7] =	sst s0;
	s0 =	simm.s32 @!p2 $0x0  }
0x16: {  	s3 =	sld [smem:$0x3FDB];
	s0 =	simm.s32 @p2 $0x1  }
0x17: {  	s4 =	simm.s32 $0x1BF5;
	[smem:$0x3FB9] =	sst s0  }
0x18: {  	s0 =	sld [smem:$0x3F9C];
	_ =	swait.ge [sflag:s4], $0x0  }
0x19: {  	s7 =	sld [smem:$0x3F9D]  }
0x1a: {  	s8 =	sadd.s32 $0xFFFFE003, lr  }
0x1b: {  	s9 =	sadd.s32 $0xFFFFFEF7, lr;
	s5 =	simm.s32 $0xFFFFFFFF;
	p2 =	slt.u32 s8, $0xFFFFF086  }
0x1c: {  	p1 =	slt.u32 s9, $0xF7A;
	s5 =	simm.s32 @!p2 $0x0  }
0x1d: {  	s5 =	simm.s32 @p1 $0x1;
	p0 =	seq.s32 s7, s2  }
0x1e: {  	s7 =	smul.u32 @!p0 $0xF7A, s2;
	p2 =	seq.s32 @!p0 s5, $0x0  }
0x1f: {  	s9 =	smul.u32 $0xF7A, s1;
	s8 =	simm.s32 @!p0 $0x1BF5;
	p2 =	por !p2, p0  }
0x20: {  	[sflag:s8] =	ssyncset.s32 @!p0 $0xFFFFF086;
	s6 =	sadd.s32 @!p0 s3, s7;
	s7 =	simm.s32 @!p0 $0x108  }
0x21: {  	s3 =	sadd.s32 s3, s9;
	s6 =	sadd.s32 @!p0 $0x88, s6;
	s7 =	simm.s32 @p2 $0x1082  }
0x22: {  	[simem:s7], [sflag:s8] =	dma.local @!p0 [hbm:s6], $0xF7A  }
0x23: {  	s9 =	sor.u32 $0xD0000000, s2;
	s6 =	simm.s32 $0x108;
	_ =	swait.ge @!p0 [sflag:s8], $0x0  }
0x24: {  	s3 =	sadd.s32 $0x88, s3;
	s6 =	simm.s32 @!p1 $0x1082;
	[sflag:s4] =	ssyncset.s32 $0xFFFFF086  }
0x25: {  	[simem:s6], [sflag:s4] =	dma.local [hbm:s3], $0xF7A  }
0x26: {  	[smem:$0x3F9D] =	sst s1;
	(tag) =	ssettag s2;
	_ =	strace s9  }
0x27: {  	s1 =	sld [smem:$0x3FAD]  }
0x28: {  	s2 =	sld [smem:$0x3FAE]  }
0x29: {  	s4 =	sld [smem:$0x3FB0]  }
0x2a: {  	p0 =	seq.s32 s5, $0x0;
	s5 =	sld [smem:$0x3FB1]  }
0x2b: {  	s6 =	sld [smem:$0x3FB2]  }
0x2c: {  	s7 =	sld [smem:$0x3FB3]  }
0x2d: {  	s3 =	simm.s32 $0x108;
	s8 =	sld [smem:$0x3FB4]  }
0x2e: {  	s3 =	simm.s32 @!p0 $0x1082;
	s9 =	sld [smem:$0x3FB5]  }
0x2f: {  	lr =	sadd.s32 s0, s3;
	s0 =	sld [smem:$0x3FAC]  }
0x30: {  	s3 =	sld [smem:$0x3FAF]  }
0x31: {  	[smem:$0x3FB8] =	sst s10  }
0x32: {  	s10 =	sld [smem:$0x3FB6];
	_ =	sdelay $0x3  }
0x33: {  	p0 =	seq.s32 s10, $0x1;
	s10 =	sld [smem:$0x3FB8];
	_ =	sdelay $0x3  }
0x34: {  	[smem:$0x3FB8] =	sst s10  }
0x35: {  	s10 =	sld [smem:$0x3FB7];
	_ =	sdelay $0x3  }
0x36: {  	p1 =	seq.s32 s10, $0x1;
	s10 =	sld [smem:$0x3FB8];
	_ =	sdelay $0x3  }
0x37: {  	[smem:$0x3FB8] =	sst s10  }
0x38: {  	s10 =	sld [smem:$0x3FB9]  }
0x39: {  	_ = 	snop;
	(pc) =	sbr.ind lr, $3  }
0x3a: {  	_ = 	snop  }
0x3b: {  	_ = 	snop  }
0x3c: {  	p2 =	seq.s32 s10, $0x1;
	s10 =	sld [smem:$0x3FB8]  }
0x3d: {  	_ =	shalt  }
0x3e: {  	_ =	shalt  }
0x3f: {  	_ =	shalt  }
0x40: {  	_ =	shalt  }
0x41: {  	_ =	shalt  }
0x42: {  	_ =	shalt  }
0x43: {  	_ =	shalt  }
0x44: {  	_ =	shalt  }
0x45: {  	_ =	shalt  }
0x46: {  	_ =	shalt  }
0x47: {  	_ =	shalt  }
0x48: {  	_ =	shalt  }
0x49: {  	_ =	shalt  }
0x4a: {  	_ =	shalt  }
0x4b: {  	_ =	shalt  }
0x4c: {  	_ =	shalt  }
0x4d: {  	_ =	shalt  }
0x4e: {  	_ =	shalt  }
0x4f: {  	_ =	shalt  }
0x50: {  	_ =	shalt  }
0x51: {  	_ =	shalt  }
0x52: {  	_ =	shalt  }
0x53: {  	_ =	shalt  }
0x54: {  	_ =	shalt  }
0x55: {  	_ =	shalt  }
0x56: {  	_ =	shalt  }
0x57: {  	_ =	shalt  }
0x58: {  	_ =	shalt  }
0x59: {  	_ =	shalt  }
0x5a: {  	_ =	shalt  }
0x5b: {  	_ =	shalt  }
0x5c: {  	_ =	shalt  }
0x5d: {  	_ =	shalt  }
0x5e: {  	_ =	shalt  }
0x5f: {  	_ =	shalt  }
0x60: {  	_ =	shalt  }
0x61: {  	_ =	shalt  }
0x62: {  	_ =	shalt  }
0x63: {  	_ =	shalt  }
0x64: {  	_ =	shalt  }
0x65: {  	_ =	shalt  }
0x66: {  	_ =	shalt  }
0x67: {  	_ =	shalt  }
0x68: {  	_ =	shalt  }
0x69: {  	_ =	shalt  }
0x6a: {  	_ =	shalt  }
0x6b: {  	_ =	shalt  }
0x6c: {  	_ =	shalt  }
0x6d: {  	_ =	shalt  }
0x6e: {  	_ =	shalt  }
0x6f: {  	_ =	shalt  }
0x70: {  	_ =	shalt  }
0x71: {  	_ =	shalt  }
0x72: {  	_ =	shalt  }
0x73: {  	_ =	shalt  }
0x74: {  	_ =	shalt  }
0x75: {  	_ =	shalt  }
0x76: {  	_ =	shalt  }
0x77: {  	_ =	shalt  }
0x78: {  	_ =	shalt  }
0x79: {  	_ =	shalt  }
0x7a: {  	_ =	shalt  }
0x7b: {  	_ =	shalt  }
0x7c: {  	_ =	shalt  }
0x7d: {  	_ =	shalt  }
0x7e: {  	_ =	shalt  }
0x7f: {  	_ =	shalt  }
0x80: {  	_ =	shalt  }
0x81: {  	_ =	shalt  }
0x82: {  	_ =	shalt  }
0x83: {  	_ =	shalt  }
0x84: {  	_ =	shalt  }
0x85: {  	_ =	shalt  }
0x86: {  	_ =	shalt  }
0x87: {  	_ =	shalt  }
.Lfunc_end0:
.L_simem_size_0:
called_computation_lowered:
.L_overlay_start_0:
0x88: {  	s2 =	sld [smem:$0x3FD9]  }
0x89: {  	s3 =	sld [smem:$0x3FFE];
	_ =	sdelay $0x1  }
0x8a: {  	s1 =	srdreg.scid  }
0x8b: {  	s0 =	sand.u32 $0x1, s1  }
0x8c: {  	s17 =	sshll.u32 s0, $0xA;
	s2 =	sadd.s32 s3, s2  }
0x8d: {  	s2 =	sadd.s32 s2, s17  }
0x8e: {  	[smem:$0x3FC4] =	sst s2  }
0x8f: {  	_ = 	snop  }
0x90: {  	s2 =	sld [smem:$0x3FD0];
	(tm) =	ssettm $0x1  }
0x91: {  	s18 =	sld [smem:$0x3FFB];
	_ =	sdelay $0x3  }
0x92: {  	_ =	strace s18  }
0x93: {  	s3 =	sld [smem:$0x3FFC];
	_ =	sdelay $0x3  }
0x94: {  	_ =	strace s3  }
0x95: {  	s3 =	sld [smem:$0x3FFD];
	_ =	sdelay $0x3  }
0x96: {  	_ =	strace s3  }
0x97: {  	_ =	strace $0x8FFFFFFF  }
0x98: {  	s19 =	sld [smem:$0x3FDB];
	_ =	sdelay $0x1  }
0x99: {  	s4 =	simm.s32 $_scs_section_size  }
0x9a: {  	s5 =	simm.s32 $_size__tile_overlayer_lowered;
	s6 =	simm.s32 $_tile_overlayer_lowered  }
0x9b: {  	s22 =	simm.s32 $0x1BFF;
	s21 =	sshll.u32 s6, $0x1;
	s3 =	sadd.s32 s4, s19  }
0x9c: {  	s7 =	simm.s32 $0x0;
	s20 =	sshll.u32 s5, $0x1;
	s5 =	sadd.s32 s21, s3  }
0x9d: {  	[timem:s7], [sflag:s22] =	dma.local [hbm:s5], s20  }
0x9e: {  	_ =	swait.ge [sflag:s22], s20  }
0x9f: {  	s4 =	ssub.s32 $0x0, s20;
	[sflag:s22] =	ssyncset.done $0x0  }
0xa0: {  	[sflag:s22] =	ssyncadd.s32 s4;
	_ =	sdelay $0x1  }
0xa1: {  	s23 =	simm.s32 $0x1B8B  }
0xa2: {  	_ =	swait.ge [sflag:s23], $0x1  }
0xa3: {  	[sflag:s23] =	ssyncset.done $0x0  }
0xa4: {  	s25 =	simm.s32 $0x1B8E;
	s24 =	sld [smem:$0x3FFE];
	[sflag:s23] =	ssyncadd.s32 $0xFFFFFFFF  }
0xa5: {  	s26 =	simm.s32 $execute0_lowered;
	[smem:$0x3FD2] =	sst s25  }
0xa6: {  	s5 =	sshll.u32 s26, $0x1;
	_ =	strace $0x80000046;
	[dreg:$0x1] =	wrdreg $0xFFFFFFFF  }
0xa7: {  	s28 =	simm.s32 $_size_execute0_lowered;
	s3 =	sadd.s32 s3, s5;
	[dreg:$0x0] =	wrdreg $0x0  }
0xa8: {  	s5 =	sshll.u32 s28, $0x1;
	[dreg:$0x2] =	wrdreg s3  }
0xa9: {  	[dreg:$0x3] =	wrdreg s5  }
0xaa: {  	[dreg:$0x4] =	wrdreg $0xC0  }
0xab: {  	_ =	task [dreg:s7], $0x5FFFF  }
0xac: {  	[dreg:$0x1] =	wrdreg $0xFFFFFFFF  }
0xad: {  	[dreg:$0x0] =	wrdreg $0x60  }
0xae: {  	[dreg:$0x2] =	wrdreg s24  }
0xaf: {  	[dreg:$0x3] =	wrdreg s2  }
0xb0: {  	[dreg:$0x4] =	wrdreg $0x9  }
0xb1: {  	_ =	task.clear_ibuf [dreg:s7], $0x5FFFF;
	_ =	strace $0x90000046  }
0xb2: {  	s29 =	simm.s32 $0x9;
	_ =	strace $0x80000048  }
0xb3: {  	_ =	swait.ge [sflag:s29], $0x1  }
0xb4: {  	[sflag:s29] =	ssyncadd.s32 $0xFFFFFFFF  }
0xb5: {  	_ =	strace $0x90000048  }
0xb6: {  	_ =	sfence  }
0xb7: {  	s30 =	sld [smem:$0x0];
	_ =	sdelay $0x2  }
0xb8: {  	s31 =	sshll.u32 s1, $0xD;
	s1 =	sshrl.u32 s1, $0x2  }
0xb9: {  	s3 =	sand.u32 $0x4000, s31;
	s1 =	sadd.s32 s1, s30  }
0xba: {  	s0 =	sor.u32 s3, s0;
	s1 =	sshll.u32 s1, $0x11  }
0xbb: {  	s0 =	sor.u32 s1, s0  }
0xbc: {  	s0 =	sadd.s32 $0x8F2B, s0  }
0xbd: {  	[sflag:s0] =	ssyncadd.remote.s32 $0x1  }
0xbe: {  	_ =	sfence.sel $0xFFFF  }
0xbf: {  	[dreg:$0x0] =	wrdreg $0xFFFFFFFF;
	(pc) =	sbr.abs _section_cstart, $3  }
0xc0: {  	[dreg:$0x1] =	wrdreg $0xFFFFFFFF  }
0xc1: {  	_ =	task.clear_ibuf [dreg:s7], $0x2FFFF;
	_ =	strace $0x9FFFFFFF  }
0xc2: {  	(tm) =	ssettm $0x7FFFFFFF  }
0xc3: {  	_ =	shalt  }
tec
execute0_lowered:
.L_overlay_start_1:
0x0: {  	(tag) =	ssettag $0x1  }
0x1: {  	s1 =	srdreg.scid;
	s0 =	stileid.u32  }
0x2: {  	s4 =	rddreg [dreg:$0x0];
	s3 =	sand.u32 $0x1, s1;
	s30 =	sshll.u32 s0, $0x1  }
0x3: {  	s6 =	rddreg [dreg:$0x1];
	s5 =	sor.u32 s3, s30  }
0x4: {  	s2 =	simm.s32 $0x0;
	s1 =	rddreg [dreg:$0x2];
	s7 =	smul.u32 $0x2710, s5  }
0x5: {  	s9 =	simm.s32 $0x0;
	[smem:$0x7FF] =	sst s2;
	s3 =	ssub.s32 $0x2, s3  }
0x6: {  	_ =	strace $0x80000047;
	s8 =	sshrl.u32 s3, $0x1;
	s7 =	sshrl.u32 s7, $0x3  }
0x7: {  	s5 =	smul.u32 $0x4F0, s5;
	s31 =	ssub.s32 s3, s8;
	s4 =	sadd.s32 s4, s7  }
0x8: {  	s8 =	simm.s32 $0x2;
	s7 =	simm.s32 $0x2710;
	s3 =	sadd.s32 $0xB240, s4  }
0x9: {  	v0 =	vimm.f32 $0.0e+00;
	v1 =	vimm.f32 $1.000000000e+00;
	s4 =	sadd.s32 s6, s5;
	s5 =	smax.u32 s31, $0x1;
	s6 =	simm.s32 $0x1  }
.LBB2_1:
0xa: {  	[tilespmem:s2], [sflag:$0x1] =	stream.linear.gather [hbm4b:s3+s2], $0x2710, $0x38;
	[tilespmem:$0x4E90] =	vst v63  }
0xb: {  	s10 =	simm.s32 $0x0;
	s11 =	simm.s32 $0x200  }
.LBB2_2:
0xc: {  	p0 =	sne.s32 s11, $0x9C00;
	[tilespmem:s10+$0x2780] =	vst v0  }
0xd: {  	[tilespmem:s10+$0x2710] =	vst v0  }
0xe: {  	[tilespmem:s10+$0x2720] =	vst v0  }
.Ltmp0:
0xf: {  	[tilespmem:s10+$0x2730] =	vst v0;
	(pc) =	sbr.rel @p0 .LBB2_2-.Ltmp0, $4  }
0x10: {  	[tilespmem:s10+$0x2740] =	vst v0  }
0x11: {  	[tilespmem:s10+$0x2750] =	vst v0  }
0x12: {  	[tilespmem:s10+$0x2760] =	vst v0  }
0x13: {  	[tilespmem:s10+$0x2770] =	vst v0;
	s10 =	sshra.s32 s11, $0x2;
	s11 =	sadd.s32 $0x200, s11  }
0x14: {  	[tilespmem:s10+$0x2780] =	vst v0  }
0x15: {  	[tilespmem:s10+$0x2710] =	vst v0  }
0x16: {  	[tilespmem:s10+$0x2720] =	vst v0  }
0x17: {  	[tilespmem:s10+$0x2730] =	vst v0  }
0x18: {  	[tilespmem:s10+$0x2740] =	vst v0  }
0x19: {  	[tilespmem:s10+$0x2750] =	vst v0  }
0x1a: {  	[tilespmem:s10+$0x2760] =	vst v0  }
0x1b: {  	[tilespmem:s10+$0x2770] =	vst v0  }
0x1c: {  	_ =	swait.ge [sflag:s6], $0x2710  }
0x1d: {  	[sflag:s6] =	ssyncset.done $0x0  }
0x1e: {  	s10 =	simm.s32 $0x0;
	[sflag:s6] =	ssyncadd.s32 $0xFFFFD8F0  }
.LBB2_4:
0x1f: {  	s11 =	sshra.s32 s10, $0x2  }
0x20: {  	v2 =	vld [tilespmem:s11+$0x0];
	_ =	sdelay $0x7  }
0x21: {  	[tilespmem:v2+s7+$0x0] =	vst.idx.add.f32.msk $0xffff, v1  }
0x22: {  	v2 =	vld [tilespmem:s11+$0x10];
	_ =	sdelay $0x7  }
0x23: {  	[tilespmem:v2+s7+$0x0] =	vst.idx.add.f32.msk $0xffff, v1  }
0x24: {  	v2 =	vld [tilespmem:s11+$0x20];
	_ =	sdelay $0x7  }
0x25: {  	[tilespmem:v2+s7+$0x0] =	vst.idx.add.f32.msk $0xffff, v1  }
0x26: {  	v2 =	vld [tilespmem:s11+$0x30];
	_ =	sdelay $0x7  }
0x27: {  	[tilespmem:v2+s7+$0x0] =	vst.idx.add.f32.msk $0xffff, v1  }
0x28: {  	v2 =	vld [tilespmem:s11+$0x40];
	_ =	sdelay $0x2  }
0x29: {  	p0 =	sne.s32 s10, $0x9B00  }
.Ltmp1:
0x2a: {  	_ = 	snop;
	(pc) =	sbr.rel @p0 .LBB2_4-.Ltmp1, $2  }
0x2b: {  	_ =	sdelay $0x2  }
0x2c: {  	s10 =	sadd.s32 $0x140, s10;
	[tilespmem:v2+s7+$0x0] =	vst.idx.add.f32.msk $0xffff, v1  }
0x2d: {  	s9 =	sadd.s32 $0x1, s9  }
0x2e: {  	p0 =	sne.s32 s9, s5  }
.Ltmp2:
0x2f: {  	_ = 	snop;
	(pc) =	sbr.rel @p0 .LBB2_1-.Ltmp2, $4  }
0x30: {  	[hbm4b:s4+s2] =	stream.linear.scatter [tilespmem:s7], [sflag:$0x2], $0x2780, $0x38;
	[tilespmem:$0x4E90] =	vst v63  }
0x31: {  	_ =	swait.ge [sflag:s8], $0x2780  }
0x32: {  	[sflag:s8] =	ssyncset.done $0x0  }
0x33: {  	[sflag:s8] =	ssyncadd.s32 $0xFFFFD880  }
0x34: {  	_ =	sfence.sel $0x180000  }
0x35: {  	[bflag:$0x0] =	sbarrier.arrive $0xFFFF  }
0x36: {  	p0 =	sne.s32 s0, $0x0;
	_ =	strace $0x90000047  }
0x37: {  	s0 =	sadd.s32 @!p0 $0x100000, s1;
	[bflag:$0x2] =	sbarrier.arrive $0xFFFF  }
0x38: {  	[sflag:s0] =	ssyncadd.tile.s32 @!p0 $0x1;
	_ =	shalt  }
.Lfunc_end2:
_tile_overlayer_lowered:
.L_overlay_start_2:
0x39: {  	(tag) =	ssettag $0x2  }
0x3a: {  	s0 =	rddreg [dreg:$0x0];
	s2 =	stileid.u32  }
0x3b: {  	s1 =	rddreg [dreg:$0x1];
	p0 =	sne.s32 s2, $0x0  }
0x3c: {  	s3 =	rddreg [dreg:$0x2];
	[bflag:$0x3] =	sbarrier.arrive $0xFFFF;
	s2 =	simm.s32 @!p0 $0x1C02  }
0x3d: {  	[timem:s3], [sflag:s2] =	dma.local @!p0 [hbm:s0], s1  }
0x3e: {  	s0 =	simm.s32 @!p0 $0x2  }
0x3f: {  	_ =	swait.ge @!p0 [sflag:s0], s1  }
0x40: {  	s1 =	ssub.s32 @!p0 $0x0, s1;
	[sflag:s0] =	ssyncset.done @!p0 $0x0  }
0x41: {  	[sflag:s0] =	ssyncadd.s32 @!p0 s1  }
0x42: {  	[bflag:$0x3] =	sbarrier.arrive $0xFFFF  }
0x43: {  	_ =	shalt  }

</sc_bundles>
